<compile_context>
chip_gen: v7x
topology: tpu7x:2x2x1
jax: 0.10.2.dev20260603
libtpu: 0.0.44.dev20260713+nightly
codegen_flags: <defaults>
</compile_context>

<pallas_src>
import functools

import jax
import jax.numpy as jnp
from jax import lax
from jax.experimental import pallas as pl
from jax.experimental.pallas import tpu as pltpu
from jax.experimental.pallas import tpu_sc as plsc

VOCAB = 100000
D = 128
B = 4096
NNEG = 50

NC = 2
NS = 16
NW = NC * NS

BA = B // NW
CH = BA
NBUF = 6
DEPTH = 4

NCH = NNEG
T = 2 + NCH

_mesh = plsc.VectorSubcoreMesh(core_axis_name="c", subcore_axis_name="s")


@functools.partial(
    pl.kernel,
    out_type=(
        jax.ShapeDtypeStruct((B, D), jnp.float32),
        jax.ShapeDtypeStruct((B, D), jnp.float32),
        jax.ShapeDtypeStruct((B * NNEG, D), jnp.float32),
    ),
    mesh=_mesh,
    scratch_types=(
        [pltpu.VMEM((BA,), jnp.int32),
         pltpu.VMEM((BA,), jnp.int32),
         pltpu.VMEM((NNEG, CH), jnp.int32)]
        + [pltpu.VMEM((CH, D), jnp.float32)] * NBUF
        + [pltpu.SemaphoreType.DMA] * (2 * NBUF + 3)
    ),
)
def _gather3(tab, anc, pos, neg, outa, outp, outn, idx_a, idx_p, idx_n, *rest):
    bufs = rest[:NBUF]
    gs = rest[NBUF:2 * NBUF]
    ss = rest[2 * NBUF:3 * NBUF]
    isems = rest[3 * NBUF:]

    wid = lax.axis_index("s") * NC + lax.axis_index("c")
    abase = wid * BA

    ia = pltpu.async_copy(anc.at[pl.ds(abase, BA)], idx_a, isems[0])
    ip = pltpu.async_copy(pos.at[pl.ds(abase, BA)], idx_p, isems[1])
    inn = pltpu.async_copy(neg.at[:, pl.ds(abase, CH)], idx_n, isems[2])

    def idx_src(t):
        if isinstance(t, int) and t == 0:
            return idx_a
        if isinstance(t, int) and t == 1:
            return idx_p
        return idx_n.at[t - 2]

    def dst(t):
        if isinstance(t, int) and t == 0:
            return outa.at[pl.ds(abase, BA)]
        if isinstance(t, int) and t == 1:
            return outp.at[pl.ds(abase, BA)]
        return outn.at[pl.ds((t - 2) * B + abase, CH)]

    def gath(t, j):
        pltpu.async_copy(tab.at[idx_src(t)], bufs[j], gs[j])

    def wait_g(t, j):
        pltpu.make_async_copy(tab.at[idx_src(t)], bufs[j], gs[j]).wait()

    def scat(t, j):
        pltpu.async_copy(bufs[j], dst(t), ss[j])

    def wait_s(t, j):
        pltpu.make_async_copy(bufs[j], dst(t), ss[j]).wait()

    def step(t, j, do_gath):
        if do_gath:
            j2 = (t + DEPTH) % NBUF
            if t + DEPTH - NBUF >= 0:
                wait_s(t + DEPTH - NBUF, j2)
            gath(t + DEPTH, j2)
        wait_g(t, j)
        scat(t, j)

    ia.wait()
    gath(0, 0 % NBUF)
    ip.wait()
    gath(1, 1 % NBUF)
    inn.wait()
    for t in range(2, DEPTH):
        gath(t, t % NBUF)

    t0 = max(NBUF - DEPTH, 2)
    n_iter = (T - DEPTH - t0) // NBUF
    t_mid_end = t0 + n_iter * NBUF
    for t in range(t0):
        step(t, t % NBUF, do_gath=True)

    def body(i, _):
        base = t0 + i * NBUF
        for k in range(NBUF):
            t = base + k
            j = (t0 + k) % NBUF
            j2 = (t0 + k + DEPTH) % NBUF
            tw = lax.max(t + DEPTH - NBUF, 2)
            wait_s(tw, j2)
            gath(t + DEPTH, j2)
            wait_g(t, j)
            scat(t, j)
        return _

    lax.fori_loop(0, n_iter, body, None)

    for t in range(t_mid_end, T):
        step(t, t % NBUF, do_gath=(t + DEPTH <= T - 1))

    for t in range(T - NBUF, T):
        wait_s(t, t % NBUF)


def kernel(table, anchor, positive, negative):
    anc = anchor.astype(jnp.int32)
    pos = positive.astype(jnp.int32)
    neg = negative.astype(jnp.int32).T
    outa, outp, outn = _gather3(table, anc, pos, neg)
    return outa, outp, outn.reshape(NNEG, B, D).transpose(1, 0, 2)

# --- scband reference (transcript-rebuilt; emitter-appended) ---
"""Pipeline reference for scband-negative-sampling-model-89756226552290 (READ-ONLY COPY).

The authoritative reference and input builder live on the scoring server;
editing this copy changes nothing except your own understanding.
"""

import jax, jax.numpy as jnp
import numpy as np

VOCAB = 100000
EMBED_DIM = 128
BATCH = 4096
NUM_NEG = 50

def setup_inputs(seed: int = 0) -> dict:
    key = jax.random.key(seed)
    k_tab, k_a, k_p, k_n = jax.random.split(key, 4)
    table = jax.random.normal(k_tab, (VOCAB, EMBED_DIM), dtype=jnp.float32)
    anchor = jax.random.randint(k_a, (BATCH,), 0, VOCAB, dtype=jnp.int64 if jax.config.jax_enable_x64 else jnp.int32)
    positive = jax.random.randint(k_p, (BATCH,), 0, VOCAB, dtype=anchor.dtype)
    negative = jax.random.randint(k_n, (BATCH, NUM_NEG), 0, VOCAB, dtype=anchor.dtype)
    return {"table": table, "anchor": anchor, "positive": positive, "negative": negative}

def reference(table, anchor, positive, negative):
    # NegativeSamplingModel.forward: three embedding lookups on the shared table
    anchor_emb = jnp.take(table, anchor, axis=0)      # [B, D]
    positive_emb = jnp.take(table, positive, axis=0)  # [B, D]
    negative_emb = jnp.take(table, negative, axis=0)  # [B, N_neg, D]
    return (anchor_emb, positive_emb, negative_emb)

if __name__ == "__main__":
    import jax
    _d = setup_inputs()
    print(jax.jit(kernel)(*tuple(_d.values())))

</pallas_src>

<mosaic_0001>
#map = affine_map<(d0, d1) -> (0, 0)>
#map1 = affine_map<(d0, d1) -> (0)>
module attributes {stable_mosaic.version = 14 : i64} {
  func.func @_gather3(%arg0: i32, %arg1: i32, %arg2: memref<100000x128xf32, #tpu.memory_space<hbm>>, %arg3: memref<4096xi32, #tpu.memory_space<hbm>>, %arg4: memref<4096xi32, #tpu.memory_space<hbm>>, %arg5: memref<50x4096xi32, #tpu.memory_space<hbm>>, %arg6: memref<4096x128xf32, #tpu.memory_space<hbm>>, %arg7: memref<4096x128xf32, #tpu.memory_space<hbm>>, %arg8: memref<204800x128xf32, #tpu.memory_space<hbm>>, %arg9: memref<128xi32, #tpu.memory_space<vmem>>, %arg10: memref<128xi32, #tpu.memory_space<vmem>>, %arg11: memref<50x128xi32, #tpu.memory_space<vmem>>, %arg12: memref<128x128xf32, #tpu.memory_space<vmem>>, %arg13: memref<128x128xf32, #tpu.memory_space<vmem>>, %arg14: memref<128x128xf32, #tpu.memory_space<vmem>>, %arg15: memref<128x128xf32, #tpu.memory_space<vmem>>, %arg16: memref<128x128xf32, #tpu.memory_space<vmem>>, %arg17: memref<128x128xf32, #tpu.memory_space<vmem>>, %arg18: memref<!tpu.dma_semaphore, #tpu.memory_space<semaphore_mem>>, %arg19: memref<!tpu.dma_semaphore, #tpu.memory_space<semaphore_mem>>, %arg20: memref<!tpu.dma_semaphore, #tpu.memory_space<semaphore_mem>>, %arg21: memref<!tpu.dma_semaphore, #tpu.memory_space<semaphore_mem>>, %arg22: memref<!tpu.dma_semaphore, #tpu.memory_space<semaphore_mem>>, %arg23: memref<!tpu.dma_semaphore, #tpu.memory_space<semaphore_mem>>, %arg24: memref<!tpu.dma_semaphore, #tpu.memory_space<semaphore_mem>>, %arg25: memref<!tpu.dma_semaphore, #tpu.memory_space<semaphore_mem>>, %arg26: memref<!tpu.dma_semaphore, #tpu.memory_space<semaphore_mem>>, %arg27: memref<!tpu.dma_semaphore, #tpu.memory_space<semaphore_mem>>, %arg28: memref<!tpu.dma_semaphore, #tpu.memory_space<semaphore_mem>>, %arg29: memref<!tpu.dma_semaphore, #tpu.memory_space<semaphore_mem>>, %arg30: memref<!tpu.dma_semaphore, #tpu.memory_space<semaphore_mem>>, %arg31: memref<!tpu.dma_semaphore, #tpu.memory_space<semaphore_mem>>, %arg32: memref<!tpu.dma_semaphore, #tpu.memory_space<semaphore_mem>>) attributes {dimension_semantics = [#tpu.dimension_semantics<core_parallel>, #tpu.dimension_semantics<subcore_parallel>], iteration_bounds = array<i64: 2, 16>, scalar_prefetch = 0 : i64, scratch_operands = 24 : i64, tpu.core_type = #tpu.core_type<sc_vector_subcore>, window_params = [{transform_indices = #map}, {transform_indices = #map1}, {transform_indices = #map1}, {transform_indices = #map}, {transform_indices = #map}, {transform_indices = #map}, {transform_indices = #map}]} {
    %mul3A = arith.constant 2 : i32
    %mul3A_0 = arith.muli %arg1, %mul3A : i32
    %add3A = arith.addi %mul3A_0, %arg0 : i32
    %mul3A_1 = arith.constant 128 : i32
    %mul3A_2 = arith.muli %add3A, %mul3A_1 : i32
    %dma_start3A = tpu.memref_slice %arg3[%mul3A_2] : memref<4096xi32, #tpu.memory_space<hbm>> -> memref<128xi32, #tpu.memory_space<hbm>>
    %dma_start3A_3 = tpu.memref_slice %arg3[%mul3A_2] : memref<4096xi32, #tpu.memory_space<hbm>> -> memref<128xi32, #tpu.memory_space<hbm>>
    tpu.enqueue_dma source(%dma_start3A_3 : memref<128xi32, #tpu.memory_space<hbm>>) target(%arg9 : memref<128xi32, #tpu.memory_space<vmem>>) target_semaphore(%arg30 : memref<!tpu.dma_semaphore, #tpu.memory_space<semaphore_mem>>)
    %dma_start3A_4 = tpu.memref_slice %arg4[%mul3A_2] : memref<4096xi32, #tpu.memory_space<hbm>> -> memref<128xi32, #tpu.memory_space<hbm>>
    %dma_start3A_5 = tpu.memref_slice %arg4[%mul3A_2] : memref<4096xi32, #tpu.memory_space<hbm>> -> memref<128xi32, #tpu.memory_space<hbm>>
    tpu.enqueue_dma source(%dma_start3A_5 : memref<128xi32, #tpu.memory_space<hbm>>) target(%arg10 : memref<128xi32, #tpu.memory_space<vmem>>) target_semaphore(%arg31 : memref<!tpu.dma_semaphore, #tpu.memory_space<semaphore_mem>>)
    %dma_start3A_6 = arith.constant 0 : i32
    %dma_start3A_7 = tpu.memref_slice %arg5[%dma_start3A_6, %mul3A_2] : memref<50x4096xi32, #tpu.memory_space<hbm>> -> memref<50x128xi32, #tpu.memory_space<hbm>>
    %dma_start3A_8 = arith.constant 0 : i32
    %dma_start3A_9 = tpu.memref_slice %arg5[%dma_start3A_8, %mul3A_2] : memref<50x4096xi32, #tpu.memory_space<hbm>> -> memref<50x128xi32, #tpu.memory_space<hbm>>
    tpu.enqueue_dma source(%dma_start3A_9 : memref<50x128xi32, #tpu.memory_space<hbm>>) target(%arg11 : memref<50x128xi32, #tpu.memory_space<vmem>>) target_semaphore(%arg32 : memref<!tpu.dma_semaphore, #tpu.memory_space<semaphore_mem>>)
    %dma_wait3A = tpu.memref_slice %arg3[%mul3A_2] : memref<4096xi32, #tpu.memory_space<hbm>> -> memref<128xi32, #tpu.memory_space<hbm>>
    %dma_wait3A_10 = tpu.memref_slice %arg3[%mul3A_2] : memref<4096xi32, #tpu.memory_space<hbm>> -> memref<128xi32, #tpu.memory_space<hbm>>
    tpu.wait_dma2 semaphore(%arg30 : memref<!tpu.dma_semaphore, #tpu.memory_space<semaphore_mem>>) src(%dma_wait3A_10 : memref<128xi32, #tpu.memory_space<hbm>>) dst(%arg9 : memref<128xi32, #tpu.memory_space<vmem>>)
    %dma_start3A_11 = arith.constant 0 : i32
    %dma_start3A_12 = arith.constant 0 : i32
    %dma_start3A_13 = tpu.memref_slice %arg2[%dma_start3A_11, %dma_start3A_12] : memref<100000x128xf32, #tpu.memory_space<hbm>> -> memref<100000x128xf32, #tpu.memory_space<hbm>>
    tpu.enqueue_indirect_dma source(%dma_start3A_13 : memref<100000x128xf32, #tpu.memory_space<hbm>>) target(%arg12 : memref<128x128xf32, #tpu.memory_space<vmem>>) offsets(%arg9 : memref<128xi32, #tpu.memory_space<vmem>>) semaphore(%arg18 : memref<!tpu.dma_semaphore, #tpu.memory_space<semaphore_mem>>)
    %dma_wait3A_14 = tpu.memref_slice %arg4[%mul3A_2] : memref<4096xi32, #tpu.memory_space<hbm>> -> memref<128xi32, #tpu.memory_space<hbm>>
    %dma_wait3A_15 = tpu.memref_slice %arg4[%mul3A_2] : memref<4096xi32, #tpu.memory_space<hbm>> -> memref<128xi32, #tpu.memory_space<hbm>>
    tpu.wait_dma2 semaphore(%arg31 : memref<!tpu.dma_semaphore, #tpu.memory_space<semaphore_mem>>) src(%dma_wait3A_15 : memref<128xi32, #tpu.memory_space<hbm>>) dst(%arg10 : memref<128xi32, #tpu.memory_space<vmem>>)
    %dma_start3A_16 = arith.constant 0 : i32
    %dma_start3A_17 = arith.constant 0 : i32
    %dma_start3A_18 = tpu.memref_slice %arg2[%dma_start3A_16, %dma_start3A_17] : memref<100000x128xf32, #tpu.memory_space<hbm>> -> memref<100000x128xf32, #tpu.memory_space<hbm>>
    tpu.enqueue_indirect_dma source(%dma_start3A_18 : memref<100000x128xf32, #tpu.memory_space<hbm>>) target(%arg13 : memref<128x128xf32, #tpu.memory_space<vmem>>) offsets(%arg10 : memref<128xi32, #tpu.memory_space<vmem>>) semaphore(%arg19 : memref<!tpu.dma_semaphore, #tpu.memory_space<semaphore_mem>>)
    %dma_wait3A_19 = arith.constant 0 : i32
    %dma_wait3A_20 = tpu.memref_slice %arg5[%dma_wait3A_19, %mul3A_2] : memref<50x4096xi32, #tpu.memory_space<hbm>> -> memref<50x128xi32, #tpu.memory_space<hbm>>
    %dma_wait3A_21 = arith.constant 0 : i32
    %dma_wait3A_22 = tpu.memref_slice %arg5[%dma_wait3A_21, %mul3A_2] : memref<50x4096xi32, #tpu.memory_space<hbm>> -> memref<50x128xi32, #tpu.memory_space<hbm>>
    tpu.wait_dma2 semaphore(%arg32 : memref<!tpu.dma_semaphore, #tpu.memory_space<semaphore_mem>>) src(%dma_wait3A_22 : memref<50x128xi32, #tpu.memory_space<hbm>>) dst(%arg11 : memref<50x128xi32, #tpu.memory_space<vmem>>)
    %dma_start3A_23 = arith.constant 0 : i32
    %dma_start3A_24 = arith.constant 0 : i32
    %dma_start3A_25 = tpu.memref_slice %arg11[%dma_start3A_23, %dma_start3A_24] : memref<50x128xi32, #tpu.memory_space<vmem>> -> memref<1x128xi32, #tpu.memory_space<vmem>>
    %dma_start3A_26 = tpu.memref_squeeze %dma_start3A_25 : memref<1x128xi32, #tpu.memory_space<vmem>> -> memref<128xi32, #tpu.memory_space<vmem>>
    %dma_start3A_27 = arith.constant 0 : i32
    %dma_start3A_28 = arith.constant 0 : i32
    %dma_start3A_29 = tpu.memref_slice %arg2[%dma_start3A_27, %dma_start3A_28] : memref<100000x128xf32, #tpu.memory_space<hbm>> -> memref<100000x128xf32, #tpu.memory_space<hbm>>
    tpu.enqueue_indirect_dma source(%dma_start3A_29 : memref<100000x128xf32, #tpu.memory_space<hbm>>) target(%arg14 : memref<128x128xf32, #tpu.memory_space<vmem>>) offsets(%dma_start3A_26 : memref<128xi32, #tpu.memory_space<vmem>>) semaphore(%arg20 : memref<!tpu.dma_semaphore, #tpu.memory_space<semaphore_mem>>)
    %dma_start3A_30 = arith.constant 1 : i32
    %dma_start3A_31 = arith.constant 0 : i32
    %dma_start3A_32 = tpu.memref_slice %arg11[%dma_start3A_30, %dma_start3A_31] : memref<50x128xi32, #tpu.memory_space<vmem>> -> memref<1x128xi32, #tpu.memory_space<vmem>>
    %dma_start3A_33 = tpu.memref_squeeze %dma_start3A_32 : memref<1x128xi32, #tpu.memory_space<vmem>> -> memref<128xi32, #tpu.memory_space<vmem>>
    %dma_start3A_34 = arith.constant 0 : i32
    %dma_start3A_35 = arith.constant 0 : i32
    %dma_start3A_36 = tpu.memref_slice %arg2[%dma_start3A_34, %dma_start3A_35] : memref<100000x128xf32, #tpu.memory_space<hbm>> -> memref<100000x128xf32, #tpu.memory_space<hbm>>
    tpu.enqueue_indirect_dma source(%dma_start3A_36 : memref<100000x128xf32, #tpu.memory_space<hbm>>) target(%arg15 : memref<128x128xf32, #tpu.memory_space<vmem>>) offsets(%dma_start3A_33 : memref<128xi32, #tpu.memory_space<vmem>>) semaphore(%arg21 : memref<!tpu.dma_semaphore, #tpu.memory_space<semaphore_mem>>)
    %dma_start3A_37 = arith.constant 2 : i32
    %dma_start3A_38 = arith.constant 0 : i32
    %dma_start3A_39 = tpu.memref_slice %arg11[%dma_start3A_37, %dma_start3A_38] : memref<50x128xi32, #tpu.memory_space<vmem>> -> memref<1x128xi32, #tpu.memory_space<vmem>>
    %dma_start3A_40 = tpu.memref_squeeze %dma_start3A_39 : memref<1x128xi32, #tpu.memory_space<vmem>> -> memref<128xi32, #tpu.memory_space<vmem>>
    %dma_start3A_41 = arith.constant 0 : i32
    %dma_start3A_42 = arith.constant 0 : i32
    %dma_start3A_43 = tpu.memref_slice %arg2[%dma_start3A_41, %dma_start3A_42] : memref<100000x128xf32, #tpu.memory_space<hbm>> -> memref<100000x128xf32, #tpu.memory_space<hbm>>
    tpu.enqueue_indirect_dma source(%dma_start3A_43 : memref<100000x128xf32, #tpu.memory_space<hbm>>) target(%arg16 : memref<128x128xf32, #tpu.memory_space<vmem>>) offsets(%dma_start3A_40 : memref<128xi32, #tpu.memory_space<vmem>>) semaphore(%arg22 : memref<!tpu.dma_semaphore, #tpu.memory_space<semaphore_mem>>)
    %dma_wait3A_44 = arith.constant 0 : i32
    %dma_wait3A_45 = arith.constant 0 : i32
    %dma_wait3A_46 = tpu.memref_slice %arg2[%dma_wait3A_44, %dma_wait3A_45] : memref<100000x128xf32, #tpu.memory_space<hbm>> -> memref<100000x128xf32, #tpu.memory_space<hbm>>
    tpu.wait_indirect_dma semaphore(%arg18 : memref<!tpu.dma_semaphore, #tpu.memory_space<semaphore_mem>>) src(%dma_wait3A_46 : memref<100000x128xf32, #tpu.memory_space<hbm>>) dst(%arg12 : memref<128x128xf32, #tpu.memory_space<vmem>>)
    %dma_start3A_47 = arith.constant 0 : i32
    %dma_start3A_48 = tpu.memref_slice %arg6[%mul3A_2, %dma_start3A_47] : memref<4096x128xf32, #tpu.memory_space<hbm>> -> memref<128x128xf32, #tpu.memory_space<hbm>>
    %dma_start3A_49 = arith.constant 0 : i32
    %dma_start3A_50 = tpu.memref_slice %arg6[%mul3A_2, %dma_start3A_49] : memref<4096x128xf32, #tpu.memory_space<hbm>> -> memref<128x128xf32, #tpu.memory_space<hbm>>
    tpu.enqueue_dma source(%arg12 : memref<128x128xf32, #tpu.memory_space<vmem>>) target(%dma_start3A_50 : memref<128x128xf32, #tpu.memory_space<hbm>>) target_semaphore(%arg24 : memref<!tpu.dma_semaphore, #tpu.memory_space<semaphore_mem>>)
    %dma_start3A_51 = arith.constant 3 : i32
    %dma_start3A_52 = arith.constant 0 : i32
    %dma_start3A_53 = tpu.memref_slice %arg11[%dma_start3A_51, %dma_start3A_52] : memref<50x128xi32, #tpu.memory_space<vmem>> -> memref<1x128xi32, #tpu.memory_space<vmem>>
    %dma_start3A_54 = tpu.memref_squeeze %dma_start3A_53 : memref<1x128xi32, #tpu.memory_space<vmem>> -> memref<128xi32, #tpu.memory_space<vmem>>
    %dma_start3A_55 = arith.constant 0 : i32
    %dma_start3A_56 = arith.constant 0 : i32
    %dma_start3A_57 = tpu.memref_slice %arg2[%dma_start3A_55, %dma_start3A_56] : memref<100000x128xf32, #tpu.memory_space<hbm>> -> memref<100000x128xf32, #tpu.memory_space<hbm>>
    tpu.enqueue_indirect_dma source(%dma_start3A_57 : memref<100000x128xf32, #tpu.memory_space<hbm>>) target(%arg17 : memref<128x128xf32, #tpu.memory_space<vmem>>) offsets(%dma_start3A_54 : memref<128xi32, #tpu.memory_space<vmem>>) semaphore(%arg23 : memref<!tpu.dma_semaphore, #tpu.memory_space<semaphore_mem>>)
    %dma_wait3A_58 = arith.constant 0 : i32
    %dma_wait3A_59 = arith.constant 0 : i32
    %dma_wait3A_60 = tpu.memref_slice %arg2[%dma_wait3A_58, %dma_wait3A_59] : memref<100000x128xf32, #tpu.memory_space<hbm>> -> memref<100000x128xf32, #tpu.memory_space<hbm>>
    tpu.wait_indirect_dma semaphore(%arg19 : memref<!tpu.dma_semaphore, #tpu.memory_space<semaphore_mem>>) src(%dma_wait3A_60 : memref<100000x128xf32, #tpu.memory_space<hbm>>) dst(%arg13 : memref<128x128xf32, #tpu.memory_space<vmem>>)
    %dma_start3A_61 = arith.constant 0 : i32
    %dma_start3A_62 = tpu.memref_slice %arg7[%mul3A_2, %dma_start3A_61] : memref<4096x128xf32, #tpu.memory_space<hbm>> -> memref<128x128xf32, #tpu.memory_space<hbm>>
    %dma_start3A_63 = arith.constant 0 : i32
    %dma_start3A_64 = tpu.memref_slice %arg7[%mul3A_2, %dma_start3A_63] : memref<4096x128xf32, #tpu.memory_space<hbm>> -> memref<128x128xf32, #tpu.memory_space<hbm>>
    tpu.enqueue_dma source(%arg13 : memref<128x128xf32, #tpu.memory_space<vmem>>) target(%dma_start3A_64 : memref<128x128xf32, #tpu.memory_space<hbm>>) target_semaphore(%arg25 : memref<!tpu.dma_semaphore, #tpu.memory_space<semaphore_mem>>)
    %scan3A = arith.constant 0 : i32
    %scan3A_65 = arith.constant 7 : i32
    %scan3A_66 = arith.addi %scan3A, %scan3A_65 : i32
    %scan3A_67 = arith.constant 1 : i32
    scf.for %scan3A_261 = %scan3A to %scan3A_66 step %scan3A_67  : i32 {
      %mul3A_262 = arith.constant 6 : i32
      %mul3A_263 = arith.muli %scan3A_261, %mul3A_262 : i32
      %add3A_264 = arith.constant 2 : i32
      %add3A_265 = arith.addi %add3A_264, %mul3A_263 : i32
      %add3A_266 = arith.constant 0 : i32
      %add3A_267 = arith.addi %add3A_265, %add3A_266 : i32
      %add3A_268 = arith.constant 4 : i32
      %add3A_269 = arith.addi %add3A_267, %add3A_268 : i32
      %sub3A = arith.constant 6 : i32
      %sub3A_270 = arith.subi %add3A_269, %sub3A : i32
      %max3A = arith.constant 2 : i32
      %max3A_271 = arith.maxsi %sub3A_270, %max3A : i32
      %sub3A_272 = arith.constant 2 : i32
      %sub3A_273 = arith.subi %max3A_271, %sub3A_272 : i32
      %mul3A_274 = arith.constant 4096 : i32
      %mul3A_275 = arith.muli %sub3A_273, %mul3A_274 : i32
      %add3A_276 = arith.addi %mul3A_275, %mul3A_2 : i32
      %dma_wait3A_277 = arith.constant 0 : i32
      %dma_wait3A_278 = tpu.memref_slice %arg8[%add3A_276, %dma_wait3A_277] : memref<204800x128xf32, #tpu.memory_space<hbm>> -> memref<128x128xf32, #tpu.memory_space<hbm>>
      %dma_wait3A_279 = arith.constant 0 : i32
      %dma_wait3A_280 = tpu.memref_slice %arg8[%add3A_276, %dma_wait3A_279] : memref<204800x128xf32, #tpu.memory_space<hbm>> -> memref<128x128xf32, #tpu.memory_space<hbm>>
      tpu.wait_dma2 semaphore(%arg24 : memref<!tpu.dma_semaphore, #tpu.memory_space<semaphore_mem>>) src(%arg12 : memref<128x128xf32, #tpu.memory_space<vmem>>) dst(%dma_wait3A_280 : memref<128x128xf32, #tpu.memory_space<hbm>>)
      %add3A_281 = arith.constant 4 : i32
      %add3A_282 = arith.addi %add3A_267, %add3A_281 : i32
      %sub3A_283 = arith.constant 2 : i32
      %sub3A_284 = arith.subi %add3A_282, %sub3A_283 : i32
      %dma_start3A_285 = arith.constant 0 : i32
      %dma_start3A_286 = tpu.memref_slice %arg11[%sub3A_284, %dma_start3A_285] : memref<50x128xi32, #tpu.memory_space<vmem>> -> memref<1x128xi32, #tpu.memory_space<vmem>>
      %dma_start3A_287 = tpu.memref_squeeze %dma_start3A_286 : memref<1x128xi32, #tpu.memory_space<vmem>> -> memref<128xi32, #tpu.memory_space<vmem>>
      %dma_start3A_288 = arith.constant 0 : i32
      %dma_start3A_289 = arith.constant 0 : i32
      %dma_start3A_290 = tpu.memref_slice %arg2[%dma_start3A_288, %dma_start3A_289] : memref<100000x128xf32, #tpu.memory_space<hbm>> -> memref<100000x128xf32, #tpu.memory_space<hbm>>
      tpu.enqueue_indirect_dma source(%dma_start3A_290 : memref<100000x128xf32, #tpu.memory_space<hbm>>) target(%arg12 : memref<128x128xf32, #tpu.memory_space<vmem>>) offsets(%dma_start3A_287 : memref<128xi32, #tpu.memory_space<vmem>>) semaphore(%arg18 : memref<!tpu.dma_semaphore, #tpu.memory_space<semaphore_mem>>)
      %sub3A_291 = arith.constant 2 : i32
      %sub3A_292 = arith.subi %add3A_267, %sub3A_291 : i32
      %dma_wait3A_293 = arith.constant 0 : i32
      %dma_wait3A_294 = tpu.memref_slice %arg11[%sub3A_292, %dma_wait3A_293] : memref<50x128xi32, #tpu.memory_space<vmem>> -> memref<1x128xi32, #tpu.memory_space<vmem>>
      %dma_wait3A_295 = tpu.memref_squeeze %dma_wait3A_294 : memref<1x128xi32, #tpu.memory_space<vmem>> -> memref<128xi32, #tpu.memory_space<vmem>>
      %dma_wait3A_296 = arith.constant 0 : i32
      %dma_wait3A_297 = arith.constant 0 : i32
      %dma_wait3A_298 = tpu.memref_slice %arg2[%dma_wait3A_296, %dma_wait3A_297] : memref<100000x128xf32, #tpu.memory_space<hbm>> -> memref<100000x128xf32, #tpu.memory_space<hbm>>
      tpu.wait_indirect_dma semaphore(%arg20 : memref<!tpu.dma_semaphore, #tpu.memory_space<semaphore_mem>>) src(%dma_wait3A_298 : memref<100000x128xf32, #tpu.memory_space<hbm>>) dst(%arg14 : memref<128x128xf32, #tpu.memory_space<vmem>>)
      %sub3A_299 = arith.constant 2 : i32
      %sub3A_300 = arith.subi %add3A_267, %sub3A_299 : i32
      %mul3A_301 = arith.constant 4096 : i32
      %mul3A_302 = arith.muli %sub3A_300, %mul3A_301 : i32
      %add3A_303 = arith.addi %mul3A_302, %mul3A_2 : i32
      %dma_start3A_304 = arith.constant 0 : i32
      %dma_start3A_305 = tpu.memref_slice %arg8[%add3A_303, %dma_start3A_304] : memref<204800x128xf32, #tpu.memory_space<hbm>> -> memref<128x128xf32, #tpu.memory_space<hbm>>
      %dma_start3A_306 = arith.constant 0 : i32
      %dma_start3A_307 = tpu.memref_slice %arg8[%add3A_303, %dma_start3A_306] : memref<204800x128xf32, #tpu.memory_space<hbm>> -> memref<128x128xf32, #tpu.memory_space<hbm>>
      tpu.enqueue_dma source(%arg14 : memref<128x128xf32, #tpu.memory_space<vmem>>) target(%dma_start3A_307 : memref<128x128xf32, #tpu.memory_space<hbm>>) target_semaphore(%arg26 : memref<!tpu.dma_semaphore, #tpu.memory_space<semaphore_mem>>)
      %add3A_308 = arith.constant 1 : i32
      %add3A_309 = arith.addi %add3A_265, %add3A_308 : i32
      %add3A_310 = arith.constant 4 : i32
      %add3A_311 = arith.addi %add3A_309, %add3A_310 : i32
      %sub3A_312 = arith.constant 6 : i32
      %sub3A_313 = arith.subi %add3A_311, %sub3A_312 : i32
      %max3A_314 = arith.constant 2 : i32
      %max3A_315 = arith.maxsi %sub3A_313, %max3A_314 : i32
      %sub3A_316 = arith.constant 2 : i32
      %sub3A_317 = arith.subi %max3A_315, %sub3A_316 : i32
      %mul3A_318 = arith.constant 4096 : i32
      %mul3A_319 = arith.muli %sub3A_317, %mul3A_318 : i32
      %add3A_320 = arith.addi %mul3A_319, %mul3A_2 : i32
      %dma_wait3A_321 = arith.constant 0 : i32
      %dma_wait3A_322 = tpu.memref_slice %arg8[%add3A_320, %dma_wait3A_321] : memref<204800x128xf32, #tpu.memory_space<hbm>> -> memref<128x128xf32, #tpu.memory_space<hbm>>
      %dma_wait3A_323 = arith.constant 0 : i32
      %dma_wait3A_324 = tpu.memref_slice %arg8[%add3A_320, %dma_wait3A_323] : memref<204800x128xf32, #tpu.memory_space<hbm>> -> memref<128x128xf32, #tpu.memory_space<hbm>>
      tpu.wait_dma2 semaphore(%arg25 : memref<!tpu.dma_semaphore, #tpu.memory_space<semaphore_mem>>) src(%arg13 : memref<128x128xf32, #tpu.memory_space<vmem>>) dst(%dma_wait3A_324 : memref<128x128xf32, #tpu.memory_space<hbm>>)
      %add3A_325 = arith.constant 4 : i32
      %add3A_326 = arith.addi %add3A_309, %add3A_325 : i32
      %sub3A_327 = arith.constant 2 : i32
      %sub3A_328 = arith.subi %add3A_326, %sub3A_327 : i32
      %dma_start3A_329 = arith.constant 0 : i32
      %dma_start3A_330 = tpu.memref_slice %arg11[%sub3A_328, %dma_start3A_329] : memref<50x128xi32, #tpu.memory_space<vmem>> -> memref<1x128xi32, #tpu.memory_space<vmem>>
      %dma_start3A_331 = tpu.memref_squeeze %dma_start3A_330 : memref<1x128xi32, #tpu.memory_space<vmem>> -> memref<128xi32, #tpu.memory_space<vmem>>
      %dma_start3A_332 = arith.constant 0 : i32
      %dma_start3A_333 = arith.constant 0 : i32
      %dma_start3A_334 = tpu.memref_slice %arg2[%dma_start3A_332, %dma_start3A_333] : memref<100000x128xf32, #tpu.memory_space<hbm>> -> memref<100000x128xf32, #tpu.memory_space<hbm>>
      tpu.enqueue_indirect_dma source(%dma_start3A_334 : memref<100000x128xf32, #tpu.memory_space<hbm>>) target(%arg13 : memref<128x128xf32, #tpu.memory_space<vmem>>) offsets(%dma_start3A_331 : memref<128xi32, #tpu.memory_space<vmem>>) semaphore(%arg19 : memref<!tpu.dma_semaphore, #tpu.memory_space<semaphore_mem>>)
      %sub3A_335 = arith.constant 2 : i32
      %sub3A_336 = arith.subi %add3A_309, %sub3A_335 : i32
      %dma_wait3A_337 = arith.constant 0 : i32
      %dma_wait3A_338 = tpu.memref_slice %arg11[%sub3A_336, %dma_wait3A_337] : memref<50x128xi32, #tpu.memory_space<vmem>> -> memref<1x128xi32, #tpu.memory_space<vmem>>
      %dma_wait3A_339 = tpu.memref_squeeze %dma_wait3A_338 : memref<1x128xi32, #tpu.memory_space<vmem>> -> memref<128xi32, #tpu.memory_space<vmem>>
      %dma_wait3A_340 = arith.constant 0 : i32
      %dma_wait3A_341 = arith.constant 0 : i32
      %dma_wait3A_342 = tpu.memref_slice %arg2[%dma_wait3A_340, %dma_wait3A_341] : memref<100000x128xf32, #tpu.memory_space<hbm>> -> memref<100000x128xf32, #tpu.memory_space<hbm>>
      tpu.wait_indirect_dma semaphore(%arg21 : memref<!tpu.dma_semaphore, #tpu.memory_space<semaphore_mem>>) src(%dma_wait3A_342 : memref<100000x128xf32, #tpu.memory_space<hbm>>) dst(%arg15 : memref<128x128xf32, #tpu.memory_space<vmem>>)
      %sub3A_343 = arith.constant 2 : i32
      %sub3A_344 = arith.subi %add3A_309, %sub3A_343 : i32
      %mul3A_345 = arith.constant 4096 : i32
      %mul3A_346 = arith.muli %sub3A_344, %mul3A_345 : i32
      %add3A_347 = arith.addi %mul3A_346, %mul3A_2 : i32
      %dma_start3A_348 = arith.constant 0 : i32
      %dma_start3A_349 = tpu.memref_slice %arg8[%add3A_347, %dma_start3A_348] : memref<204800x128xf32, #tpu.memory_space<hbm>> -> memref<128x128xf32, #tpu.memory_space<hbm>>
      %dma_start3A_350 = arith.constant 0 : i32
      %dma_start3A_351 = tpu.memref_slice %arg8[%add3A_347, %dma_start3A_350] : memref<204800x128xf32, #tpu.memory_space<hbm>> -> memref<128x128xf32, #tpu.memory_space<hbm>>
      tpu.enqueue_dma source(%arg15 : memref<128x128xf32, #tpu.memory_space<vmem>>) target(%dma_start3A_351 : memref<128x128xf32, #tpu.memory_space<hbm>>) target_semaphore(%arg27 : memref<!tpu.dma_semaphore, #tpu.memory_space<semaphore_mem>>)
      %add3A_352 = arith.constant 2 : i32
      %add3A_353 = arith.addi %add3A_265, %add3A_352 : i32
      %add3A_354 = arith.constant 4 : i32
      %add3A_355 = arith.addi %add3A_353, %add3A_354 : i32
      %sub3A_356 = arith.constant 6 : i32
      %sub3A_357 = arith.subi %add3A_355, %sub3A_356 : i32
      %max3A_358 = arith.constant 2 : i32
      %max3A_359 = arith.maxsi %sub3A_357, %max3A_358 : i32
      %sub3A_360 = arith.constant 2 : i32
      %sub3A_361 = arith.subi %max3A_359, %sub3A_360 : i32
      %mul3A_362 = arith.constant 4096 : i32
      %mul3A_363 = arith.muli %sub3A_361, %mul3A_362 : i32
      %add3A_364 = arith.addi %mul3A_363, %mul3A_2 : i32
      %dma_wait3A_365 = arith.constant 0 : i32
      %dma_wait3A_366 = tpu.memref_slice %arg8[%add3A_364, %dma_wait3A_365] : memref<204800x128xf32, #tpu.memory_space<hbm>> -> memref<128x128xf32, #tpu.memory_space<hbm>>
      %dma_wait3A_367 = arith.constant 0 : i32
      %dma_wait3A_368 = tpu.memref_slice %arg8[%add3A_364, %dma_wait3A_367] : memref<204800x128xf32, #tpu.memory_space<hbm>> -> memref<128x128xf32, #tpu.memory_space<hbm>>
      tpu.wait_dma2 semaphore(%arg26 : memref<!tpu.dma_semaphore, #tpu.memory_space<semaphore_mem>>) src(%arg14 : memref<128x128xf32, #tpu.memory_space<vmem>>) dst(%dma_wait3A_368 : memref<128x128xf32, #tpu.memory_space<hbm>>)
      %add3A_369 = arith.constant 4 : i32
      %add3A_370 = arith.addi %add3A_353, %add3A_369 : i32
      %sub3A_371 = arith.constant 2 : i32
      %sub3A_372 = arith.subi %add3A_370, %sub3A_371 : i32
      %dma_start3A_373 = arith.constant 0 : i32
      %dma_start3A_374 = tpu.memref_slice %arg11[%sub3A_372, %dma_start3A_373] : memref<50x128xi32, #tpu.memory_space<vmem>> -> memref<1x128xi32, #tpu.memory_space<vmem>>
      %dma_start3A_375 = tpu.memref_squeeze %dma_start3A_374 : memref<1x128xi32, #tpu.memory_space<vmem>> -> memref<128xi32, #tpu.memory_space<vmem>>
      %dma_start3A_376 = arith.constant 0 : i32
      %dma_start3A_377 = arith.constant 0 : i32
      %dma_start3A_378 = tpu.memref_slice %arg2[%dma_start3A_376, %dma_start3A_377] : memref<100000x128xf32, #tpu.memory_space<hbm>> -> memref<100000x128xf32, #tpu.memory_space<hbm>>
      tpu.enqueue_indirect_dma source(%dma_start3A_378 : memref<100000x128xf32, #tpu.memory_space<hbm>>) target(%arg14 : memref<128x128xf32, #tpu.memory_space<vmem>>) offsets(%dma_start3A_375 : memref<128xi32, #tpu.memory_space<vmem>>) semaphore(%arg20 : memref<!tpu.dma_semaphore, #tpu.memory_space<semaphore_mem>>)
      %sub3A_379 = arith.constant 2 : i32
      %sub3A_380 = arith.subi %add3A_353, %sub3A_379 : i32
      %dma_wait3A_381 = arith.constant 0 : i32
      %dma_wait3A_382 = tpu.memref_slice %arg11[%sub3A_380, %dma_wait3A_381] : memref<50x128xi32, #tpu.memory_space<vmem>> -> memref<1x128xi32, #tpu.memory_space<vmem>>
      %dma_wait3A_383 = tpu.memref_squeeze %dma_wait3A_382 : memref<1x128xi32, #tpu.memory_space<vmem>> -> memref<128xi32, #tpu.memory_space<vmem>>
      %dma_wait3A_384 = arith.constant 0 : i32
      %dma_wait3A_385 = arith.constant 0 : i32
      %dma_wait3A_386 = tpu.memref_slice %arg2[%dma_wait3A_384, %dma_wait3A_385] : memref<100000x128xf32, #tpu.memory_space<hbm>> -> memref<100000x128xf32, #tpu.memory_space<hbm>>
      tpu.wait_indirect_dma semaphore(%arg22 : memref<!tpu.dma_semaphore, #tpu.memory_space<semaphore_mem>>) src(%dma_wait3A_386 : memref<100000x128xf32, #tpu.memory_space<hbm>>) dst(%arg16 : memref<128x128xf32, #tpu.memory_space<vmem>>)
      %sub3A_387 = arith.constant 2 : i32
      %sub3A_388 = arith.subi %add3A_353, %sub3A_387 : i32
      %mul3A_389 = arith.constant 4096 : i32
      %mul3A_390 = arith.muli %sub3A_388, %mul3A_389 : i32
      %add3A_391 = arith.addi %mul3A_390, %mul3A_2 : i32
      %dma_start3A_392 = arith.constant 0 : i32
      %dma_start3A_393 = tpu.memref_slice %arg8[%add3A_391, %dma_start3A_392] : memref<204800x128xf32, #tpu.memory_space<hbm>> -> memref<128x128xf32, #tpu.memory_space<hbm>>
      %dma_start3A_394 = arith.constant 0 : i32
      %dma_start3A_395 = tpu.memref_slice %arg8[%add3A_391, %dma_start3A_394] : memref<204800x128xf32, #tpu.memory_space<hbm>> -> memref<128x128xf32, #tpu.memory_space<hbm>>
      tpu.enqueue_dma source(%arg16 : memref<128x128xf32, #tpu.memory_space<vmem>>) target(%dma_start3A_395 : memref<128x128xf32, #tpu.memory_space<hbm>>) target_semaphore(%arg28 : memref<!tpu.dma_semaphore, #tpu.memory_space<semaphore_mem>>)
      %add3A_396 = arith.constant 3 : i32
      %add3A_397 = arith.addi %add3A_265, %add3A_396 : i32
      %add3A_398 = arith.constant 4 : i32
      %add3A_399 = arith.addi %add3A_397, %add3A_398 : i32
      %sub3A_400 = arith.constant 6 : i32
      %sub3A_401 = arith.subi %add3A_399, %sub3A_400 : i32
      %max3A_402 = arith.constant 2 : i32
      %max3A_403 = arith.maxsi %sub3A_401, %max3A_402 : i32
      %sub3A_404 = arith.constant 2 : i32
      %sub3A_405 = arith.subi %max3A_403, %sub3A_404 : i32
      %mul3A_406 = arith.constant 4096 : i32
      %mul3A_407 = arith.muli %sub3A_405, %mul3A_406 : i32
      %add3A_408 = arith.addi %mul3A_407, %mul3A_2 : i32
      %dma_wait3A_409 = arith.constant 0 : i32
      %dma_wait3A_410 = tpu.memref_slice %arg8[%add3A_408, %dma_wait3A_409] : memref<204800x128xf32, #tpu.memory_space<hbm>> -> memref<128x128xf32, #tpu.memory_space<hbm>>
      %dma_wait3A_411 = arith.constant 0 : i32
      %dma_wait3A_412 = tpu.memref_slice %arg8[%add3A_408, %dma_wait3A_411] : memref<204800x128xf32, #tpu.memory_space<hbm>> -> memref<128x128xf32, #tpu.memory_space<hbm>>
      tpu.wait_dma2 semaphore(%arg27 : memref<!tpu.dma_semaphore, #tpu.memory_space<semaphore_mem>>) src(%arg15 : memref<128x128xf32, #tpu.memory_space<vmem>>) dst(%dma_wait3A_412 : memref<128x128xf32, #tpu.memory_space<hbm>>)
      %add3A_413 = arith.constant 4 : i32
      %add3A_414 = arith.addi %add3A_397, %add3A_413 : i32
      %sub3A_415 = arith.constant 2 : i32
      %sub3A_416 = arith.subi %add3A_414, %sub3A_415 : i32
      %dma_start3A_417 = arith.constant 0 : i32
      %dma_start3A_418 = tpu.memref_slice %arg11[%sub3A_416, %dma_start3A_417] : memref<50x128xi32, #tpu.memory_space<vmem>> -> memref<1x128xi32, #tpu.memory_space<vmem>>
      %dma_start3A_419 = tpu.memref_squeeze %dma_start3A_418 : memref<1x128xi32, #tpu.memory_space<vmem>> -> memref<128xi32, #tpu.memory_space<vmem>>
      %dma_start3A_420 = arith.constant 0 : i32
      %dma_start3A_421 = arith.constant 0 : i32
      %dma_start3A_422 = tpu.memref_slice %arg2[%dma_start3A_420, %dma_start3A_421] : memref<100000x128xf32, #tpu.memory_space<hbm>> -> memref<100000x128xf32, #tpu.memory_space<hbm>>
      tpu.enqueue_indirect_dma source(%dma_start3A_422 : memref<100000x128xf32, #tpu.memory_space<hbm>>) target(%arg15 : memref<128x128xf32, #tpu.memory_space<vmem>>) offsets(%dma_start3A_419 : memref<128xi32, #tpu.memory_space<vmem>>) semaphore(%arg21 : memref<!tpu.dma_semaphore, #tpu.memory_space<semaphore_mem>>)
      %sub3A_423 = arith.constant 2 : i32
      %sub3A_424 = arith.subi %add3A_397, %sub3A_423 : i32
      %dma_wait3A_425 = arith.constant 0 : i32
      %dma_wait3A_426 = tpu.memref_slice %arg11[%sub3A_424, %dma_wait3A_425] : memref<50x128xi32, #tpu.memory_space<vmem>> -> memref<1x128xi32, #tpu.memory_space<vmem>>
      %dma_wait3A_427 = tpu.memref_squeeze %dma_wait3A_426 : memref<1x128xi32, #tpu.memory_space<vmem>> -> memref<128xi32, #tpu.memory_space<vmem>>
      %dma_wait3A_428 = arith.constant 0 : i32
      %dma_wait3A_429 = arith.constant 0 : i32
      %dma_wait3A_430 = tpu.memref_slice %arg2[%dma_wait3A_428, %dma_wait3A_429] : memref<100000x128xf32, #tpu.memory_space<hbm>> -> memref<100000x128xf32, #tpu.memory_space<hbm>>
      tpu.wait_indirect_dma semaphore(%arg23 : memref<!tpu.dma_semaphore, #tpu.memory_space<semaphore_mem>>) src(%dma_wait3A_430 : memref<100000x128xf32, #tpu.memory_space<hbm>>) dst(%arg17 : memref<128x128xf32, #tpu.memory_space<vmem>>)
      %sub3A_431 = arith.constant 2 : i32
      %sub3A_432 = arith.subi %add3A_397, %sub3A_431 : i32
      %mul3A_433 = arith.constant 4096 : i32
      %mul3A_434 = arith.muli %sub3A_432, %mul3A_433 : i32
      %add3A_435 = arith.addi %mul3A_434, %mul3A_2 : i32
      %dma_start3A_436 = arith.constant 0 : i32
      %dma_start3A_437 = tpu.memref_slice %arg8[%add3A_435, %dma_start3A_436] : memref<204800x128xf32, #tpu.memory_space<hbm>> -> memref<128x128xf32, #tpu.memory_space<hbm>>
      %dma_start3A_438 = arith.constant 0 : i32
      %dma_start3A_439 = tpu.memref_slice %arg8[%add3A_435, %dma_start3A_438] : memref<204800x128xf32, #tpu.memory_space<hbm>> -> memref<128x128xf32, #tpu.memory_space<hbm>>
      tpu.enqueue_dma source(%arg17 : memref<128x128xf32, #tpu.memory_space<vmem>>) target(%dma_start3A_439 : memref<128x128xf32, #tpu.memory_space<hbm>>) target_semaphore(%arg29 : memref<!tpu.dma_semaphore, #tpu.memory_space<semaphore_mem>>)
      %add3A_440 = arith.constant 4 : i32
      %add3A_441 = arith.addi %add3A_265, %add3A_440 : i32
      %add3A_442 = arith.constant 4 : i32
      %add3A_443 = arith.addi %add3A_441, %add3A_442 : i32
      %sub3A_444 = arith.constant 6 : i32
      %sub3A_445 = arith.subi %add3A_443, %sub3A_444 : i32
      %max3A_446 = arith.constant 2 : i32
      %max3A_447 = arith.maxsi %sub3A_445, %max3A_446 : i32
      %sub3A_448 = arith.constant 2 : i32
      %sub3A_449 = arith.subi %max3A_447, %sub3A_448 : i32
      %mul3A_450 = arith.constant 4096 : i32
      %mul3A_451 = arith.muli %sub3A_449, %mul3A_450 : i32
      %add3A_452 = arith.addi %mul3A_451, %mul3A_2 : i32
      %dma_wait3A_453 = arith.constant 0 : i32
      %dma_wait3A_454 = tpu.memref_slice %arg8[%add3A_452, %dma_wait3A_453] : memref<204800x128xf32, #tpu.memory_space<hbm>> -> memref<128x128xf32, #tpu.memory_space<hbm>>
      %dma_wait3A_455 = arith.constant 0 : i32
      %dma_wait3A_456 = tpu.memref_slice %arg8[%add3A_452, %dma_wait3A_455] : memref<204800x128xf32, #tpu.memory_space<hbm>> -> memref<128x128xf32, #tpu.memory_space<hbm>>
      tpu.wait_dma2 semaphore(%arg28 : memref<!tpu.dma_semaphore, #tpu.memory_space<semaphore_mem>>) src(%arg16 : memref<128x128xf32, #tpu.memory_space<vmem>>) dst(%dma_wait3A_456 : memref<128x128xf32, #tpu.memory_space<hbm>>)
      %add3A_457 = arith.constant 4 : i32
      %add3A_458 = arith.addi %add3A_441, %add3A_457 : i32
      %sub3A_459 = arith.constant 2 : i32
      %sub3A_460 = arith.subi %add3A_458, %sub3A_459 : i32
      %dma_start3A_461 = arith.constant 0 : i32
      %dma_start3A_462 = tpu.memref_slice %arg11[%sub3A_460, %dma_start3A_461] : memref<50x128xi32, #tpu.memory_space<vmem>> -> memref<1x128xi32, #tpu.memory_space<vmem>>
      %dma_start3A_463 = tpu.memref_squeeze %dma_start3A_462 : memref<1x128xi32, #tpu.memory_space<vmem>> -> memref<128xi32, #tpu.memory_space<vmem>>
      %dma_start3A_464 = arith.constant 0 : i32
      %dma_start3A_465 = arith.constant 0 : i32
      %dma_start3A_466 = tpu.memref_slice %arg2[%dma_start3A_464, %dma_start3A_465] : memref<100000x128xf32, #tpu.memory_space<hbm>> -> memref<100000x128xf32, #tpu.memory_space<hbm>>
      tpu.enqueue_indirect_dma source(%dma_start3A_466 : memref<100000x128xf32, #tpu.memory_space<hbm>>) target(%arg16 : memref<128x128xf32, #tpu.memory_space<vmem>>) offsets(%dma_start3A_463 : memref<128xi32, #tpu.memory_space<vmem>>) semaphore(%arg22 : memref<!tpu.dma_semaphore, #tpu.memory_space<semaphore_mem>>)
      %sub3A_467 = arith.constant 2 : i32
      %sub3A_468 = arith.subi %add3A_441, %sub3A_467 : i32
      %dma_wait3A_469 = arith.constant 0 : i32
      %dma_wait3A_470 = tpu.memref_slice %arg11[%sub3A_468, %dma_wait3A_469] : memref<50x128xi32, #tpu.memory_space<vmem>> -> memref<1x128xi32, #tpu.memory_space<vmem>>
      %dma_wait3A_471 = tpu.memref_squeeze %dma_wait3A_470 : memref<1x128xi32, #tpu.memory_space<vmem>> -> memref<128xi32, #tpu.memory_space<vmem>>
      %dma_wait3A_472 = arith.constant 0 : i32
      %dma_wait3A_473 = arith.constant 0 : i32
      %dma_wait3A_474 = tpu.memref_slice %arg2[%dma_wait3A_472, %dma_wait3A_473] : memref<100000x128xf32, #tpu.memory_space<hbm>> -> memref<100000x128xf32, #tpu.memory_space<hbm>>
      tpu.wait_indirect_dma semaphore(%arg18 : memref<!tpu.dma_semaphore, #tpu.memory_space<semaphore_mem>>) src(%dma_wait3A_474 : memref<100000x128xf32, #tpu.memory_space<hbm>>) dst(%arg12 : memref<128x128xf32, #tpu.memory_space<vmem>>)
      %sub3A_475 = arith.constant 2 : i32
      %sub3A_476 = arith.subi %add3A_441, %sub3A_475 : i32
      %mul3A_477 = arith.constant 4096 : i32
      %mul3A_478 = arith.muli %sub3A_476, %mul3A_477 : i32
      %add3A_479 = arith.addi %mul3A_478, %mul3A_2 : i32
      %dma_start3A_480 = arith.constant 0 : i32
      %dma_start3A_481 = tpu.memref_slice %arg8[%add3A_479, %dma_start3A_480] : memref<204800x128xf32, #tpu.memory_space<hbm>> -> memref<128x128xf32, #tpu.memory_space<hbm>>
      %dma_start3A_482 = arith.constant 0 : i32
      %dma_start3A_483 = tpu.memref_slice %arg8[%add3A_479, %dma_start3A_482] : memref<204800x128xf32, #tpu.memory_space<hbm>> -> memref<128x128xf32, #tpu.memory_space<hbm>>
      tpu.enqueue_dma source(%arg12 : memref<128x128xf32, #tpu.memory_space<vmem>>) target(%dma_start3A_483 : memref<128x128xf32, #tpu.memory_space<hbm>>) target_semaphore(%arg24 : memref<!tpu.dma_semaphore, #tpu.memory_space<semaphore_mem>>)
      %add3A_484 = arith.constant 5 : i32
      %add3A_485 = arith.addi %add3A_265, %add3A_484 : i32
      %add3A_486 = arith.constant 4 : i32
      %add3A_487 = arith.addi %add3A_485, %add3A_486 : i32
      %sub3A_488 = arith.constant 6 : i32
      %sub3A_489 = arith.subi %add3A_487, %sub3A_488 : i32
      %max3A_490 = arith.constant 2 : i32
      %max3A_491 = arith.maxsi %sub3A_489, %max3A_490 : i32
      %sub3A_492 = arith.constant 2 : i32
      %sub3A_493 = arith.subi %max3A_491, %sub3A_492 : i32
      %mul3A_494 = arith.constant 4096 : i32
      %mul3A_495 = arith.muli %sub3A_493, %mul3A_494 : i32
      %add3A_496 = arith.addi %mul3A_495, %mul3A_2 : i32
      %dma_wait3A_497 = arith.constant 0 : i32
      %dma_wait3A_498 = tpu.memref_slice %arg8[%add3A_496, %dma_wait3A_497] : memref<204800x128xf32, #tpu.memory_space<hbm>> -> memref<128x128xf32, #tpu.memory_space<hbm>>
      %dma_wait3A_499 = arith.constant 0 : i32
      %dma_wait3A_500 = tpu.memref_slice %arg8[%add3A_496, %dma_wait3A_499] : memref<204800x128xf32, #tpu.memory_space<hbm>> -> memref<128x128xf32, #tpu.memory_space<hbm>>
      tpu.wait_dma2 semaphore(%arg29 : memref<!tpu.dma_semaphore, #tpu.memory_space<semaphore_mem>>) src(%arg17 : memref<128x128xf32, #tpu.memory_space<vmem>>) dst(%dma_wait3A_500 : memref<128x128xf32, #tpu.memory_space<hbm>>)
      %add3A_501 = arith.constant 4 : i32
      %add3A_502 = arith.addi %add3A_485, %add3A_501 : i32
      %sub3A_503 = arith.constant 2 : i32
      %sub3A_504 = arith.subi %add3A_502, %sub3A_503 : i32
      %dma_start3A_505 = arith.constant 0 : i32
      %dma_start3A_506 = tpu.memref_slice %arg11[%sub3A_504, %dma_start3A_505] : memref<50x128xi32, #tpu.memory_space<vmem>> -> memref<1x128xi32, #tpu.memory_space<vmem>>
      %dma_start3A_507 = tpu.memref_squeeze %dma_start3A_506 : memref<1x128xi32, #tpu.memory_space<vmem>> -> memref<128xi32, #tpu.memory_space<vmem>>
      %dma_start3A_508 = arith.constant 0 : i32
      %dma_start3A_509 = arith.constant 0 : i32
      %dma_start3A_510 = tpu.memref_slice %arg2[%dma_start3A_508, %dma_start3A_509] : memref<100000x128xf32, #tpu.memory_space<hbm>> -> memref<100000x128xf32, #tpu.memory_space<hbm>>
      tpu.enqueue_indirect_dma source(%dma_start3A_510 : memref<100000x128xf32, #tpu.memory_space<hbm>>) target(%arg17 : memref<128x128xf32, #tpu.memory_space<vmem>>) offsets(%dma_start3A_507 : memref<128xi32, #tpu.memory_space<vmem>>) semaphore(%arg23 : memref<!tpu.dma_semaphore, #tpu.memory_space<semaphore_mem>>)
      %sub3A_511 = arith.constant 2 : i32
      %sub3A_512 = arith.subi %add3A_485, %sub3A_511 : i32
      %dma_wait3A_513 = arith.constant 0 : i32
      %dma_wait3A_514 = tpu.memref_slice %arg11[%sub3A_512, %dma_wait3A_513] : memref<50x128xi32, #tpu.memory_space<vmem>> -> memref<1x128xi32, #tpu.memory_space<vmem>>
      %dma_wait3A_515 = tpu.memref_squeeze %dma_wait3A_514 : memref<1x128xi32, #tpu.memory_space<vmem>> -> memref<128xi32, #tpu.memory_space<vmem>>
      %dma_wait3A_516 = arith.constant 0 : i32
      %dma_wait3A_517 = arith.constant 0 : i32
      %dma_wait3A_518 = tpu.memref_slice %arg2[%dma_wait3A_516, %dma_wait3A_517] : memref<100000x128xf32, #tpu.memory_space<hbm>> -> memref<100000x128xf32, #tpu.memory_space<hbm>>
      tpu.wait_indirect_dma semaphore(%arg19 : memref<!tpu.dma_semaphore, #tpu.memory_space<semaphore_mem>>) src(%dma_wait3A_518 : memref<100000x128xf32, #tpu.memory_space<hbm>>) dst(%arg13 : memref<128x128xf32, #tpu.memory_space<vmem>>)
      %sub3A_519 = arith.constant 2 : i32
      %sub3A_520 = arith.subi %add3A_485, %sub3A_519 : i32
      %mul3A_521 = arith.constant 4096 : i32
      %mul3A_522 = arith.muli %sub3A_520, %mul3A_521 : i32
      %add3A_523 = arith.addi %mul3A_522, %mul3A_2 : i32
      %dma_start3A_524 = arith.constant 0 : i32
      %dma_start3A_525 = tpu.memref_slice %arg8[%add3A_523, %dma_start3A_524] : memref<204800x128xf32, #tpu.memory_space<hbm>> -> memref<128x128xf32, #tpu.memory_space<hbm>>
      %dma_start3A_526 = arith.constant 0 : i32
      %dma_start3A_527 = tpu.memref_slice %arg8[%add3A_523, %dma_start3A_526] : memref<204800x128xf32, #tpu.memory_space<hbm>> -> memref<128x128xf32, #tpu.memory_space<hbm>>
      tpu.enqueue_dma source(%arg13 : memref<128x128xf32, #tpu.memory_space<vmem>>) target(%dma_start3A_527 : memref<128x128xf32, #tpu.memory_space<hbm>>) target_semaphore(%arg25 : memref<!tpu.dma_semaphore, #tpu.memory_space<semaphore_mem>>)
    }
    %scan3A_68 = arith.constant 7 : i32
    %add3A_69 = arith.constant 163840 : i32
    %add3A_70 = arith.addi %add3A_69, %mul3A_2 : i32
    %dma_wait3A_71 = arith.constant 0 : i32
    %dma_wait3A_72 = tpu.memref_slice %arg8[%add3A_70, %dma_wait3A_71] : memref<204800x128xf32, #tpu.memory_space<hbm>> -> memref<128x128xf32, #tpu.memory_space<hbm>>
    %dma_wait3A_73 = arith.constant 0 : i32
    %dma_wait3A_74 = tpu.memref_slice %arg8[%add3A_70, %dma_wait3A_73] : memref<204800x128xf32, #tpu.memory_space<hbm>> -> memref<128x128xf32, #tpu.memory_space<hbm>>
    tpu.wait_dma2 semaphore(%arg24 : memref<!tpu.dma_semaphore, #tpu.memory_space<semaphore_mem>>) src(%arg12 : memref<128x128xf32, #tpu.memory_space<vmem>>) dst(%dma_wait3A_74 : memref<128x128xf32, #tpu.memory_space<hbm>>)
    %dma_start3A_75 = arith.constant 46 : i32
    %dma_start3A_76 = arith.constant 0 : i32
    %dma_start3A_77 = tpu.memref_slice %arg11[%dma_start3A_75, %dma_start3A_76] : memref<50x128xi32, #tpu.memory_space<vmem>> -> memref<1x128xi32, #tpu.memory_space<vmem>>
    %dma_start3A_78 = tpu.memref_squeeze %dma_start3A_77 : memref<1x128xi32, #tpu.memory_space<vmem>> -> memref<128xi32, #tpu.memory_space<vmem>>
    %dma_start3A_79 = arith.constant 0 : i32
    %dma_start3A_80 = arith.constant 0 : i32
    %dma_start3A_81 = tpu.memref_slice %arg2[%dma_start3A_79, %dma_start3A_80] : memref<100000x128xf32, #tpu.memory_space<hbm>> -> memref<100000x128xf32, #tpu.memory_space<hbm>>
    tpu.enqueue_indirect_dma source(%dma_start3A_81 : memref<100000x128xf32, #tpu.memory_space<hbm>>) target(%arg12 : memref<128x128xf32, #tpu.memory_space<vmem>>) offsets(%dma_start3A_78 : memref<128xi32, #tpu.memory_space<vmem>>) semaphore(%arg18 : memref<!tpu.dma_semaphore, #tpu.memory_space<semaphore_mem>>)
    %dma_wait3A_82 = arith.constant 42 : i32
    %dma_wait3A_83 = arith.constant 0 : i32
    %dma_wait3A_84 = tpu.memref_slice %arg11[%dma_wait3A_82, %dma_wait3A_83] : memref<50x128xi32, #tpu.memory_space<vmem>> -> memref<1x128xi32, #tpu.memory_space<vmem>>
    %dma_wait3A_85 = tpu.memref_squeeze %dma_wait3A_84 : memref<1x128xi32, #tpu.memory_space<vmem>> -> memref<128xi32, #tpu.memory_space<vmem>>
    %dma_wait3A_86 = arith.constant 0 : i32
    %dma_wait3A_87 = arith.constant 0 : i32
    %dma_wait3A_88 = tpu.memref_slice %arg2[%dma_wait3A_86, %dma_wait3A_87] : memref<100000x128xf32, #tpu.memory_space<hbm>> -> memref<100000x128xf32, #tpu.memory_space<hbm>>
    tpu.wait_indirect_dma semaphore(%arg20 : memref<!tpu.dma_semaphore, #tpu.memory_space<semaphore_mem>>) src(%dma_wait3A_88 : memref<100000x128xf32, #tpu.memory_space<hbm>>) dst(%arg14 : memref<128x128xf32, #tpu.memory_space<vmem>>)
    %add3A_89 = arith.constant 172032 : i32
    %add3A_90 = arith.addi %add3A_89, %mul3A_2 : i32
    %dma_start3A_91 = arith.constant 0 : i32
    %dma_start3A_92 = tpu.memref_slice %arg8[%add3A_90, %dma_start3A_91] : memref<204800x128xf32, #tpu.memory_space<hbm>> -> memref<128x128xf32, #tpu.memory_space<hbm>>
    %dma_start3A_93 = arith.constant 0 : i32
    %dma_start3A_94 = tpu.memref_slice %arg8[%add3A_90, %dma_start3A_93] : memref<204800x128xf32, #tpu.memory_space<hbm>> -> memref<128x128xf32, #tpu.memory_space<hbm>>
    tpu.enqueue_dma source(%arg14 : memref<128x128xf32, #tpu.memory_space<vmem>>) target(%dma_start3A_94 : memref<128x128xf32, #tpu.memory_space<hbm>>) target_semaphore(%arg26 : memref<!tpu.dma_semaphore, #tpu.memory_space<semaphore_mem>>)
    %add3A_95 = arith.constant 167936 : i32
    %add3A_96 = arith.addi %add3A_95, %mul3A_2 : i32
    %dma_wait3A_97 = arith.constant 0 : i32
    %dma_wait3A_98 = tpu.memref_slice %arg8[%add3A_96, %dma_wait3A_97] : memref<204800x128xf32, #tpu.memory_space<hbm>> -> memref<128x128xf32, #tpu.memory_space<hbm>>
    %dma_wait3A_99 = arith.constant 0 : i32
    %dma_wait3A_100 = tpu.memref_slice %arg8[%add3A_96, %dma_wait3A_99] : memref<204800x128xf32, #tpu.memory_space<hbm>> -> memref<128x128xf32, #tpu.memory_space<hbm>>
    tpu.wait_dma2 semaphore(%arg25 : memref<!tpu.dma_semaphore, #tpu.memory_space<semaphore_mem>>) src(%arg13 : memref<128x128xf32, #tpu.memory_space<vmem>>) dst(%dma_wait3A_100 : memref<128x128xf32, #tpu.memory_space<hbm>>)
    %dma_start3A_101 = arith.constant 47 : i32
    %dma_start3A_102 = arith.constant 0 : i32
    %dma_start3A_103 = tpu.memref_slice %arg11[%dma_start3A_101, %dma_start3A_102] : memref<50x128xi32, #tpu.memory_space<vmem>> -> memref<1x128xi32, #tpu.memory_space<vmem>>
    %dma_start3A_104 = tpu.memref_squeeze %dma_start3A_103 : memref<1x128xi32, #tpu.memory_space<vmem>> -> memref<128xi32, #tpu.memory_space<vmem>>
    %dma_start3A_105 = arith.constant 0 : i32
    %dma_start3A_106 = arith.constant 0 : i32
    %dma_start3A_107 = tpu.memref_slice %arg2[%dma_start3A_105, %dma_start3A_106] : memref<100000x128xf32, #tpu.memory_space<hbm>> -> memref<100000x128xf32, #tpu.memory_space<hbm>>
    tpu.enqueue_indirect_dma source(%dma_start3A_107 : memref<100000x128xf32, #tpu.memory_space<hbm>>) target(%arg13 : memref<128x128xf32, #tpu.memory_space<vmem>>) offsets(%dma_start3A_104 : memref<128xi32, #tpu.memory_space<vmem>>) semaphore(%arg19 : memref<!tpu.dma_semaphore, #tpu.memory_space<semaphore_mem>>)
    %dma_wait3A_108 = arith.constant 43 : i32
    %dma_wait3A_109 = arith.constant 0 : i32
    %dma_wait3A_110 = tpu.memref_slice %arg11[%dma_wait3A_108, %dma_wait3A_109] : memref<50x128xi32, #tpu.memory_space<vmem>> -> memref<1x128xi32, #tpu.memory_space<vmem>>
    %dma_wait3A_111 = tpu.memref_squeeze %dma_wait3A_110 : memref<1x128xi32, #tpu.memory_space<vmem>> -> memref<128xi32, #tpu.memory_space<vmem>>
    %dma_wait3A_112 = arith.constant 0 : i32
    %dma_wait3A_113 = arith.constant 0 : i32
    %dma_wait3A_114 = tpu.memref_slice %arg2[%dma_wait3A_112, %dma_wait3A_113] : memref<100000x128xf32, #tpu.memory_space<hbm>> -> memref<100000x128xf32, #tpu.memory_space<hbm>>
    tpu.wait_indirect_dma semaphore(%arg21 : memref<!tpu.dma_semaphore, #tpu.memory_space<semaphore_mem>>) src(%dma_wait3A_114 : memref<100000x128xf32, #tpu.memory_space<hbm>>) dst(%arg15 : memref<128x128xf32, #tpu.memory_space<vmem>>)
    %add3A_115 = arith.constant 176128 : i32
    %add3A_116 = arith.addi %add3A_115, %mul3A_2 : i32
    %dma_start3A_117 = arith.constant 0 : i32
    %dma_start3A_118 = tpu.memref_slice %arg8[%add3A_116, %dma_start3A_117] : memref<204800x128xf32, #tpu.memory_space<hbm>> -> memref<128x128xf32, #tpu.memory_space<hbm>>
    %dma_start3A_119 = arith.constant 0 : i32
    %dma_start3A_120 = tpu.memref_slice %arg8[%add3A_116, %dma_start3A_119] : memref<204800x128xf32, #tpu.memory_space<hbm>> -> memref<128x128xf32, #tpu.memory_space<hbm>>
    tpu.enqueue_dma source(%arg15 : memref<128x128xf32, #tpu.memory_space<vmem>>) target(%dma_start3A_120 : memref<128x128xf32, #tpu.memory_space<hbm>>) target_semaphore(%arg27 : memref<!tpu.dma_semaphore, #tpu.memory_space<semaphore_mem>>)
    %add3A_121 = arith.constant 172032 : i32
    %add3A_122 = arith.addi %add3A_121, %mul3A_2 : i32
    %dma_wait3A_123 = arith.constant 0 : i32
    %dma_wait3A_124 = tpu.memref_slice %arg8[%add3A_122, %dma_wait3A_123] : memref<204800x128xf32, #tpu.memory_space<hbm>> -> memref<128x128xf32, #tpu.memory_space<hbm>>
    %dma_wait3A_125 = arith.constant 0 : i32
    %dma_wait3A_126 = tpu.memref_slice %arg8[%add3A_122, %dma_wait3A_125] : memref<204800x128xf32, #tpu.memory_space<hbm>> -> memref<128x128xf32, #tpu.memory_space<hbm>>
    tpu.wait_dma2 semaphore(%arg26 : memref<!tpu.dma_semaphore, #tpu.memory_space<semaphore_mem>>) src(%arg14 : memref<128x128xf32, #tpu.memory_space<vmem>>) dst(%dma_wait3A_126 : memref<128x128xf32, #tpu.memory_space<hbm>>)
    %dma_start3A_127 = arith.constant 48 : i32
    %dma_start3A_128 = arith.constant 0 : i32
    %dma_start3A_129 = tpu.memref_slice %arg11[%dma_start3A_127, %dma_start3A_128] : memref<50x128xi32, #tpu.memory_space<vmem>> -> memref<1x128xi32, #tpu.memory_space<vmem>>
    %dma_start3A_130 = tpu.memref_squeeze %dma_start3A_129 : memref<1x128xi32, #tpu.memory_space<vmem>> -> memref<128xi32, #tpu.memory_space<vmem>>
    %dma_start3A_131 = arith.constant 0 : i32
    %dma_start3A_132 = arith.constant 0 : i32
    %dma_start3A_133 = tpu.memref_slice %arg2[%dma_start3A_131, %dma_start3A_132] : memref<100000x128xf32, #tpu.memory_space<hbm>> -> memref<100000x128xf32, #tpu.memory_space<hbm>>
    tpu.enqueue_indirect_dma source(%dma_start3A_133 : memref<100000x128xf32, #tpu.memory_space<hbm>>) target(%arg14 : memref<128x128xf32, #tpu.memory_space<vmem>>) offsets(%dma_start3A_130 : memref<128xi32, #tpu.memory_space<vmem>>) semaphore(%arg20 : memref<!tpu.dma_semaphore, #tpu.memory_space<semaphore_mem>>)
    %dma_wait3A_134 = arith.constant 44 : i32
    %dma_wait3A_135 = arith.constant 0 : i32
    %dma_wait3A_136 = tpu.memref_slice %arg11[%dma_wait3A_134, %dma_wait3A_135] : memref<50x128xi32, #tpu.memory_space<vmem>> -> memref<1x128xi32, #tpu.memory_space<vmem>>
    %dma_wait3A_137 = tpu.memref_squeeze %dma_wait3A_136 : memref<1x128xi32, #tpu.memory_space<vmem>> -> memref<128xi32, #tpu.memory_space<vmem>>
    %dma_wait3A_138 = arith.constant 0 : i32
    %dma_wait3A_139 = arith.constant 0 : i32
    %dma_wait3A_140 = tpu.memref_slice %arg2[%dma_wait3A_138, %dma_wait3A_139] : memref<100000x128xf32, #tpu.memory_space<hbm>> -> memref<100000x128xf32, #tpu.memory_space<hbm>>
    tpu.wait_indirect_dma semaphore(%arg22 : memref<!tpu.dma_semaphore, #tpu.memory_space<semaphore_mem>>) src(%dma_wait3A_140 : memref<100000x128xf32, #tpu.memory_space<hbm>>) dst(%arg16 : memref<128x128xf32, #tpu.memory_space<vmem>>)
    %add3A_141 = arith.constant 180224 : i32
    %add3A_142 = arith.addi %add3A_141, %mul3A_2 : i32
    %dma_start3A_143 = arith.constant 0 : i32
    %dma_start3A_144 = tpu.memref_slice %arg8[%add3A_142, %dma_start3A_143] : memref<204800x128xf32, #tpu.memory_space<hbm>> -> memref<128x128xf32, #tpu.memory_space<hbm>>
    %dma_start3A_145 = arith.constant 0 : i32
    %dma_start3A_146 = tpu.memref_slice %arg8[%add3A_142, %dma_start3A_145] : memref<204800x128xf32, #tpu.memory_space<hbm>> -> memref<128x128xf32, #tpu.memory_space<hbm>>
    tpu.enqueue_dma source(%arg16 : memref<128x128xf32, #tpu.memory_space<vmem>>) target(%dma_start3A_146 : memref<128x128xf32, #tpu.memory_space<hbm>>) target_semaphore(%arg28 : memref<!tpu.dma_semaphore, #tpu.memory_space<semaphore_mem>>)
    %add3A_147 = arith.constant 176128 : i32
    %add3A_148 = arith.addi %add3A_147, %mul3A_2 : i32
    %dma_wait3A_149 = arith.constant 0 : i32
    %dma_wait3A_150 = tpu.memref_slice %arg8[%add3A_148, %dma_wait3A_149] : memref<204800x128xf32, #tpu.memory_space<hbm>> -> memref<128x128xf32, #tpu.memory_space<hbm>>
    %dma_wait3A_151 = arith.constant 0 : i32
    %dma_wait3A_152 = tpu.memref_slice %arg8[%add3A_148, %dma_wait3A_151] : memref<204800x128xf32, #tpu.memory_space<hbm>> -> memref<128x128xf32, #tpu.memory_space<hbm>>
    tpu.wait_dma2 semaphore(%arg27 : memref<!tpu.dma_semaphore, #tpu.memory_space<semaphore_mem>>) src(%arg15 : memref<128x128xf32, #tpu.memory_space<vmem>>) dst(%dma_wait3A_152 : memref<128x128xf32, #tpu.memory_space<hbm>>)
    %dma_start3A_153 = arith.constant 49 : i32
    %dma_start3A_154 = arith.constant 0 : i32
    %dma_start3A_155 = tpu.memref_slice %arg11[%dma_start3A_153, %dma_start3A_154] : memref<50x128xi32, #tpu.memory_space<vmem>> -> memref<1x128xi32, #tpu.memory_space<vmem>>
    %dma_start3A_156 = tpu.memref_squeeze %dma_start3A_155 : memref<1x128xi32, #tpu.memory_space<vmem>> -> memref<128xi32, #tpu.memory_space<vmem>>
    %dma_start3A_157 = arith.constant 0 : i32
    %dma_start3A_158 = arith.constant 0 : i32
    %dma_start3A_159 = tpu.memref_slice %arg2[%dma_start3A_157, %dma_start3A_158] : memref<100000x128xf32, #tpu.memory_space<hbm>> -> memref<100000x128xf32, #tpu.memory_space<hbm>>
    tpu.enqueue_indirect_dma source(%dma_start3A_159 : memref<100000x128xf32, #tpu.memory_space<hbm>>) target(%arg15 : memref<128x128xf32, #tpu.memory_space<vmem>>) offsets(%dma_start3A_156 : memref<128xi32, #tpu.memory_space<vmem>>) semaphore(%arg21 : memref<!tpu.dma_semaphore, #tpu.memory_space<semaphore_mem>>)
    %dma_wait3A_160 = arith.constant 45 : i32
    %dma_wait3A_161 = arith.constant 0 : i32
    %dma_wait3A_162 = tpu.memref_slice %arg11[%dma_wait3A_160, %dma_wait3A_161] : memref<50x128xi32, #tpu.memory_space<vmem>> -> memref<1x128xi32, #tpu.memory_space<vmem>>
    %dma_wait3A_163 = tpu.memref_squeeze %dma_wait3A_162 : memref<1x128xi32, #tpu.memory_space<vmem>> -> memref<128xi32, #tpu.memory_space<vmem>>
    %dma_wait3A_164 = arith.constant 0 : i32
    %dma_wait3A_165 = arith.constant 0 : i32
    %dma_wait3A_166 = tpu.memref_slice %arg2[%dma_wait3A_164, %dma_wait3A_165] : memref<100000x128xf32, #tpu.memory_space<hbm>> -> memref<100000x128xf32, #tpu.memory_space<hbm>>
    tpu.wait_indirect_dma semaphore(%arg23 : memref<!tpu.dma_semaphore, #tpu.memory_space<semaphore_mem>>) src(%dma_wait3A_166 : memref<100000x128xf32, #tpu.memory_space<hbm>>) dst(%arg17 : memref<128x128xf32, #tpu.memory_space<vmem>>)
    %add3A_167 = arith.constant 184320 : i32
    %add3A_168 = arith.addi %add3A_167, %mul3A_2 : i32
    %dma_start3A_169 = arith.constant 0 : i32
    %dma_start3A_170 = tpu.memref_slice %arg8[%add3A_168, %dma_start3A_169] : memref<204800x128xf32, #tpu.memory_space<hbm>> -> memref<128x128xf32, #tpu.memory_space<hbm>>
    %dma_start3A_171 = arith.constant 0 : i32
    %dma_start3A_172 = tpu.memref_slice %arg8[%add3A_168, %dma_start3A_171] : memref<204800x128xf32, #tpu.memory_space<hbm>> -> memref<128x128xf32, #tpu.memory_space<hbm>>
    tpu.enqueue_dma source(%arg17 : memref<128x128xf32, #tpu.memory_space<vmem>>) target(%dma_start3A_172 : memref<128x128xf32, #tpu.memory_space<hbm>>) target_semaphore(%arg29 : memref<!tpu.dma_semaphore, #tpu.memory_space<semaphore_mem>>)
    %dma_wait3A_173 = arith.constant 46 : i32
    %dma_wait3A_174 = arith.constant 0 : i32
    %dma_wait3A_175 = tpu.memref_slice %arg11[%dma_wait3A_173, %dma_wait3A_174] : memref<50x128xi32, #tpu.memory_space<vmem>> -> memref<1x128xi32, #tpu.memory_space<vmem>>
    %dma_wait3A_176 = tpu.memref_squeeze %dma_wait3A_175 : memref<1x128xi32, #tpu.memory_space<vmem>> -> memref<128xi32, #tpu.memory_space<vmem>>
    %dma_wait3A_177 = arith.constant 0 : i32
    %dma_wait3A_178 = arith.constant 0 : i32
    %dma_wait3A_179 = tpu.memref_slice %arg2[%dma_wait3A_177, %dma_wait3A_178] : memref<100000x128xf32, #tpu.memory_space<hbm>> -> memref<100000x128xf32, #tpu.memory_space<hbm>>
    tpu.wait_indirect_dma semaphore(%arg18 : memref<!tpu.dma_semaphore, #tpu.memory_space<semaphore_mem>>) src(%dma_wait3A_179 : memref<100000x128xf32, #tpu.memory_space<hbm>>) dst(%arg12 : memref<128x128xf32, #tpu.memory_space<vmem>>)
    %add3A_180 = arith.constant 188416 : i32
    %add3A_181 = arith.addi %add3A_180, %mul3A_2 : i32
    %dma_start3A_182 = arith.constant 0 : i32
    %dma_start3A_183 = tpu.memref_slice %arg8[%add3A_181, %dma_start3A_182] : memref<204800x128xf32, #tpu.memory_space<hbm>> -> memref<128x128xf32, #tpu.memory_space<hbm>>
    %dma_start3A_184 = arith.constant 0 : i32
    %dma_start3A_185 = tpu.memref_slice %arg8[%add3A_181, %dma_start3A_184] : memref<204800x128xf32, #tpu.memory_space<hbm>> -> memref<128x128xf32, #tpu.memory_space<hbm>>
    tpu.enqueue_dma source(%arg12 : memref<128x128xf32, #tpu.memory_space<vmem>>) target(%dma_start3A_185 : memref<128x128xf32, #tpu.memory_space<hbm>>) target_semaphore(%arg24 : memref<!tpu.dma_semaphore, #tpu.memory_space<semaphore_mem>>)
    %dma_wait3A_186 = arith.constant 47 : i32
    %dma_wait3A_187 = arith.constant 0 : i32
    %dma_wait3A_188 = tpu.memref_slice %arg11[%dma_wait3A_186, %dma_wait3A_187] : memref<50x128xi32, #tpu.memory_space<vmem>> -> memref<1x128xi32, #tpu.memory_space<vmem>>
    %dma_wait3A_189 = tpu.memref_squeeze %dma_wait3A_188 : memref<1x128xi32, #tpu.memory_space<vmem>> -> memref<128xi32, #tpu.memory_space<vmem>>
    %dma_wait3A_190 = arith.constant 0 : i32
    %dma_wait3A_191 = arith.constant 0 : i32
    %dma_wait3A_192 = tpu.memref_slice %arg2[%dma_wait3A_190, %dma_wait3A_191] : memref<100000x128xf32, #tpu.memory_space<hbm>> -> memref<100000x128xf32, #tpu.memory_space<hbm>>
    tpu.wait_indirect_dma semaphore(%arg19 : memref<!tpu.dma_semaphore, #tpu.memory_space<semaphore_mem>>) src(%dma_wait3A_192 : memref<100000x128xf32, #tpu.memory_space<hbm>>) dst(%arg13 : memref<128x128xf32, #tpu.memory_space<vmem>>)
    %add3A_193 = arith.constant 192512 : i32
    %add3A_194 = arith.addi %add3A_193, %mul3A_2 : i32
    %dma_start3A_195 = arith.constant 0 : i32
    %dma_start3A_196 = tpu.memref_slice %arg8[%add3A_194, %dma_start3A_195] : memref<204800x128xf32, #tpu.memory_space<hbm>> -> memref<128x128xf32, #tpu.memory_space<hbm>>
    %dma_start3A_197 = arith.constant 0 : i32
    %dma_start3A_198 = tpu.memref_slice %arg8[%add3A_194, %dma_start3A_197] : memref<204800x128xf32, #tpu.memory_space<hbm>> -> memref<128x128xf32, #tpu.memory_space<hbm>>
    tpu.enqueue_dma source(%arg13 : memref<128x128xf32, #tpu.memory_space<vmem>>) target(%dma_start3A_198 : memref<128x128xf32, #tpu.memory_space<hbm>>) target_semaphore(%arg25 : memref<!tpu.dma_semaphore, #tpu.memory_space<semaphore_mem>>)
    %dma_wait3A_199 = arith.constant 48 : i32
    %dma_wait3A_200 = arith.constant 0 : i32
    %dma_wait3A_201 = tpu.memref_slice %arg11[%dma_wait3A_199, %dma_wait3A_200] : memref<50x128xi32, #tpu.memory_space<vmem>> -> memref<1x128xi32, #tpu.memory_space<vmem>>
    %dma_wait3A_202 = tpu.memref_squeeze %dma_wait3A_201 : memref<1x128xi32, #tpu.memory_space<vmem>> -> memref<128xi32, #tpu.memory_space<vmem>>
    %dma_wait3A_203 = arith.constant 0 : i32
    %dma_wait3A_204 = arith.constant 0 : i32
    %dma_wait3A_205 = tpu.memref_slice %arg2[%dma_wait3A_203, %dma_wait3A_204] : memref<100000x128xf32, #tpu.memory_space<hbm>> -> memref<100000x128xf32, #tpu.memory_space<hbm>>
    tpu.wait_indirect_dma semaphore(%arg20 : memref<!tpu.dma_semaphore, #tpu.memory_space<semaphore_mem>>) src(%dma_wait3A_205 : memref<100000x128xf32, #tpu.memory_space<hbm>>) dst(%arg14 : memref<128x128xf32, #tpu.memory_space<vmem>>)
    %add3A_206 = arith.constant 196608 : i32
    %add3A_207 = arith.addi %add3A_206, %mul3A_2 : i32
    %dma_start3A_208 = arith.constant 0 : i32
    %dma_start3A_209 = tpu.memref_slice %arg8[%add3A_207, %dma_start3A_208] : memref<204800x128xf32, #tpu.memory_space<hbm>> -> memref<128x128xf32, #tpu.memory_space<hbm>>
    %dma_start3A_210 = arith.constant 0 : i32
    %dma_start3A_211 = tpu.memref_slice %arg8[%add3A_207, %dma_start3A_210] : memref<204800x128xf32, #tpu.memory_space<hbm>> -> memref<128x128xf32, #tpu.memory_space<hbm>>
    tpu.enqueue_dma source(%arg14 : memref<128x128xf32, #tpu.memory_space<vmem>>) target(%dma_start3A_211 : memref<128x128xf32, #tpu.memory_space<hbm>>) target_semaphore(%arg26 : memref<!tpu.dma_semaphore, #tpu.memory_space<semaphore_mem>>)
    %dma_wait3A_212 = arith.constant 49 : i32
    %dma_wait3A_213 = arith.constant 0 : i32
    %dma_wait3A_214 = tpu.memref_slice %arg11[%dma_wait3A_212, %dma_wait3A_213] : memref<50x128xi32, #tpu.memory_space<vmem>> -> memref<1x128xi32, #tpu.memory_space<vmem>>
    %dma_wait3A_215 = tpu.memref_squeeze %dma_wait3A_214 : memref<1x128xi32, #tpu.memory_space<vmem>> -> memref<128xi32, #tpu.memory_space<vmem>>
    %dma_wait3A_216 = arith.constant 0 : i32
    %dma_wait3A_217 = arith.constant 0 : i32
    %dma_wait3A_218 = tpu.memref_slice %arg2[%dma_wait3A_216, %dma_wait3A_217] : memref<100000x128xf32, #tpu.memory_space<hbm>> -> memref<100000x128xf32, #tpu.memory_space<hbm>>
    tpu.wait_indirect_dma semaphore(%arg21 : memref<!tpu.dma_semaphore, #tpu.memory_space<semaphore_mem>>) src(%dma_wait3A_218 : memref<100000x128xf32, #tpu.memory_space<hbm>>) dst(%arg15 : memref<128x128xf32, #tpu.memory_space<vmem>>)
    %add3A_219 = arith.constant 200704 : i32
    %add3A_220 = arith.addi %add3A_219, %mul3A_2 : i32
    %dma_start3A_221 = arith.constant 0 : i32
    %dma_start3A_222 = tpu.memref_slice %arg8[%add3A_220, %dma_start3A_221] : memref<204800x128xf32, #tpu.memory_space<hbm>> -> memref<128x128xf32, #tpu.memory_space<hbm>>
    %dma_start3A_223 = arith.constant 0 : i32
    %dma_start3A_224 = tpu.memref_slice %arg8[%add3A_220, %dma_start3A_223] : memref<204800x128xf32, #tpu.memory_space<hbm>> -> memref<128x128xf32, #tpu.memory_space<hbm>>
    tpu.enqueue_dma source(%arg15 : memref<128x128xf32, #tpu.memory_space<vmem>>) target(%dma_start3A_224 : memref<128x128xf32, #tpu.memory_space<hbm>>) target_semaphore(%arg27 : memref<!tpu.dma_semaphore, #tpu.memory_space<semaphore_mem>>)
    %add3A_225 = arith.constant 180224 : i32
    %add3A_226 = arith.addi %add3A_225, %mul3A_2 : i32
    %dma_wait3A_227 = arith.constant 0 : i32
    %dma_wait3A_228 = tpu.memref_slice %arg8[%add3A_226, %dma_wait3A_227] : memref<204800x128xf32, #tpu.memory_space<hbm>> -> memref<128x128xf32, #tpu.memory_space<hbm>>
    %dma_wait3A_229 = arith.constant 0 : i32
    %dma_wait3A_230 = tpu.memref_slice %arg8[%add3A_226, %dma_wait3A_229] : memref<204800x128xf32, #tpu.memory_space<hbm>> -> memref<128x128xf32, #tpu.memory_space<hbm>>
    tpu.wait_dma2 semaphore(%arg28 : memref<!tpu.dma_semaphore, #tpu.memory_space<semaphore_mem>>) src(%arg16 : memref<128x128xf32, #tpu.memory_space<vmem>>) dst(%dma_wait3A_230 : memref<128x128xf32, #tpu.memory_space<hbm>>)
    %add3A_231 = arith.constant 184320 : i32
    %add3A_232 = arith.addi %add3A_231, %mul3A_2 : i32
    %dma_wait3A_233 = arith.constant 0 : i32
    %dma_wait3A_234 = tpu.memref_slice %arg8[%add3A_232, %dma_wait3A_233] : memref<204800x128xf32, #tpu.memory_space<hbm>> -> memref<128x128xf32, #tpu.memory_space<hbm>>
    %dma_wait3A_235 = arith.constant 0 : i32
    %dma_wait3A_236 = tpu.memref_slice %arg8[%add3A_232, %dma_wait3A_235] : memref<204800x128xf32, #tpu.memory_space<hbm>> -> memref<128x128xf32, #tpu.memory_space<hbm>>
    tpu.wait_dma2 semaphore(%arg29 : memref<!tpu.dma_semaphore, #tpu.memory_space<semaphore_mem>>) src(%arg17 : memref<128x128xf32, #tpu.memory_space<vmem>>) dst(%dma_wait3A_236 : memref<128x128xf32, #tpu.memory_space<hbm>>)
    %add3A_237 = arith.constant 188416 : i32
    %add3A_238 = arith.addi %add3A_237, %mul3A_2 : i32
    %dma_wait3A_239 = arith.constant 0 : i32
    %dma_wait3A_240 = tpu.memref_slice %arg8[%add3A_238, %dma_wait3A_239] : memref<204800x128xf32, #tpu.memory_space<hbm>> -> memref<128x128xf32, #tpu.memory_space<hbm>>
    %dma_wait3A_241 = arith.constant 0 : i32
    %dma_wait3A_242 = tpu.memref_slice %arg8[%add3A_238, %dma_wait3A_241] : memref<204800x128xf32, #tpu.memory_space<hbm>> -> memref<128x128xf32, #tpu.memory_space<hbm>>
    tpu.wait_dma2 semaphore(%arg24 : memref<!tpu.dma_semaphore, #tpu.memory_space<semaphore_mem>>) src(%arg12 : memref<128x128xf32, #tpu.memory_space<vmem>>) dst(%dma_wait3A_242 : memref<128x128xf32, #tpu.memory_space<hbm>>)
    %add3A_243 = arith.constant 192512 : i32
    %add3A_244 = arith.addi %add3A_243, %mul3A_2 : i32
    %dma_wait3A_245 = arith.constant 0 : i32
    %dma_wait3A_246 = tpu.memref_slice %arg8[%add3A_244, %dma_wait3A_245] : memref<204800x128xf32, #tpu.memory_space<hbm>> -> memref<128x128xf32, #tpu.memory_space<hbm>>
    %dma_wait3A_247 = arith.constant 0 : i32
    %dma_wait3A_248 = tpu.memref_slice %arg8[%add3A_244, %dma_wait3A_247] : memref<204800x128xf32, #tpu.memory_space<hbm>> -> memref<128x128xf32, #tpu.memory_space<hbm>>
    tpu.wait_dma2 semaphore(%arg25 : memref<!tpu.dma_semaphore, #tpu.memory_space<semaphore_mem>>) src(%arg13 : memref<128x128xf32, #tpu.memory_space<vmem>>) dst(%dma_wait3A_248 : memref<128x128xf32, #tpu.memory_space<hbm>>)
    %add3A_249 = arith.constant 196608 : i32
    %add3A_250 = arith.addi %add3A_249, %mul3A_2 : i32
    %dma_wait3A_251 = arith.constant 0 : i32
    %dma_wait3A_252 = tpu.memref_slice %arg8[%add3A_250, %dma_wait3A_251] : memref<204800x128xf32, #tpu.memory_space<hbm>> -> memref<128x128xf32, #tpu.memory_space<hbm>>
    %dma_wait3A_253 = arith.constant 0 : i32
    %dma_wait3A_254 = tpu.memref_slice %arg8[%add3A_250, %dma_wait3A_253] : memref<204800x128xf32, #tpu.memory_space<hbm>> -> memref<128x128xf32, #tpu.memory_space<hbm>>
    tpu.wait_dma2 semaphore(%arg26 : memref<!tpu.dma_semaphore, #tpu.memory_space<semaphore_mem>>) src(%arg14 : memref<128x128xf32, #tpu.memory_space<vmem>>) dst(%dma_wait3A_254 : memref<128x128xf32, #tpu.memory_space<hbm>>)
    %add3A_255 = arith.constant 200704 : i32
    %add3A_256 = arith.addi %add3A_255, %mul3A_2 : i32
    %dma_wait3A_257 = arith.constant 0 : i32
    %dma_wait3A_258 = tpu.memref_slice %arg8[%add3A_256, %dma_wait3A_257] : memref<204800x128xf32, #tpu.memory_space<hbm>> -> memref<128x128xf32, #tpu.memory_space<hbm>>
    %dma_wait3A_259 = arith.constant 0 : i32
    %dma_wait3A_260 = tpu.memref_slice %arg8[%add3A_256, %dma_wait3A_259] : memref<204800x128xf32, #tpu.memory_space<hbm>> -> memref<128x128xf32, #tpu.memory_space<hbm>>
    tpu.wait_dma2 semaphore(%arg27 : memref<!tpu.dma_semaphore, #tpu.memory_space<semaphore_mem>>) src(%arg15 : memref<128x128xf32, #tpu.memory_space<vmem>>) dst(%dma_wait3A_260 : memref<128x128xf32, #tpu.memory_space<hbm>>)
    return
  }
}

</mosaic_0001>

<sc_bundles>
// kernel: kernel.3.cloned.1.call-start
scs
__scs_entry_jumppad:
0x0: {  	(pc) =	sbr.rel $0x88, $3  }
0x1: {  	(tag) =	ssettag $0x0;
	lr =	simm.s32 $0x1  }
0x2: {  	[smem:$0x3F9D] =	sst lr;
	_ =	strace $0xD0000000  }
0x3: {  	_ = 	snop  }
0x4: {  	_ = 	snop  }
0x5: {  	_ = 	snop  }
0x6: {  	_ = 	snop  }
0x7: {  	_ = 	snop  }
__scs_overlays_trampoline_lowered:
0x8: {  	[smem:$0x3FAC] =	sst s0  }
0x9: {  	[smem:$0x3FAD] =	sst s1  }
0xa: {  	[smem:$0x3FAE] =	sst s2  }
0xb: {  	[smem:$0x3FAF] =	sst s3  }
0xc: {  	[smem:$0x3FB0] =	sst s4  }
0xd: {  	[smem:$0x3FB1] =	sst s5  }
0xe: {  	[smem:$0x3FB2] =	sst s6  }
0xf: {  	[smem:$0x3FB3] =	sst s7  }
0x10: {  	[smem:$0x3FB4] =	sst s8  }
0x11: {  	[smem:$0x3FB5] =	sst s9;
	s0 =	simm.s32 @!p0 $0x0  }
0x12: {  	s1 =	sld [smem:$0x3F9B];
	s0 =	simm.s32 @p0 $0x1  }
0x13: {  	[smem:$0x3FB6] =	sst s0;
	s0 =	simm.s32 @!p1 $0x0  }
0x14: {  	s2 =	sld [smem:$0x3F9A];
	s0 =	simm.s32 @p1 $0x1  }
0x15: {  	[smem:$0x3FB7] =	sst s0;
	s0 =	simm.s32 @!p2 $0x0  }
0x16: {  	s3 =	sld [smem:$0x3FDB];
	s0 =	simm.s32 @p2 $0x1  }
0x17: {  	s4 =	simm.s32 $0x1BF5;
	[smem:$0x3FB9] =	sst s0  }
0x18: {  	s0 =	sld [smem:$0x3F9C];
	_ =	swait.ge [sflag:s4], $0x0  }
0x19: {  	s7 =	sld [smem:$0x3F9D]  }
0x1a: {  	s8 =	sadd.s32 $0xFFFFE003, lr  }
0x1b: {  	s9 =	sadd.s32 $0xFFFFFEF7, lr;
	s5 =	simm.s32 $0xFFFFFFFF;
	p2 =	slt.u32 s8, $0xFFFFF086  }
0x1c: {  	p1 =	slt.u32 s9, $0xF7A;
	s5 =	simm.s32 @!p2 $0x0  }
0x1d: {  	s5 =	simm.s32 @p1 $0x1;
	p0 =	seq.s32 s7, s2  }
0x1e: {  	s7 =	smul.u32 @!p0 $0xF7A, s2;
	p2 =	seq.s32 @!p0 s5, $0x0  }
0x1f: {  	s9 =	smul.u32 $0xF7A, s1;
	s8 =	simm.s32 @!p0 $0x1BF5;
	p2 =	por !p2, p0  }
0x20: {  	[sflag:s8] =	ssyncset.s32 @!p0 $0xFFFFF086;
	s6 =	sadd.s32 @!p0 s3, s7;
	s7 =	simm.s32 @!p0 $0x108  }
0x21: {  	s3 =	sadd.s32 s3, s9;
	s6 =	sadd.s32 @!p0 $0x88, s6;
	s7 =	simm.s32 @p2 $0x1082  }
0x22: {  	[simem:s7], [sflag:s8] =	dma.local @!p0 [hbm:s6], $0xF7A  }
0x23: {  	s9 =	sor.u32 $0xD0000000, s2;
	s6 =	simm.s32 $0x108;
	_ =	swait.ge @!p0 [sflag:s8], $0x0  }
0x24: {  	s3 =	sadd.s32 $0x88, s3;
	s6 =	simm.s32 @!p1 $0x1082;
	[sflag:s4] =	ssyncset.s32 $0xFFFFF086  }
0x25: {  	[simem:s6], [sflag:s4] =	dma.local [hbm:s3], $0xF7A  }
0x26: {  	[smem:$0x3F9D] =	sst s1;
	(tag) =	ssettag s2;
	_ =	strace s9  }
0x27: {  	s1 =	sld [smem:$0x3FAD]  }
0x28: {  	s2 =	sld [smem:$0x3FAE]  }
0x29: {  	s4 =	sld [smem:$0x3FB0]  }
0x2a: {  	p0 =	seq.s32 s5, $0x0;
	s5 =	sld [smem:$0x3FB1]  }
0x2b: {  	s6 =	sld [smem:$0x3FB2]  }
0x2c: {  	s7 =	sld [smem:$0x3FB3]  }
0x2d: {  	s3 =	simm.s32 $0x108;
	s8 =	sld [smem:$0x3FB4]  }
0x2e: {  	s3 =	simm.s32 @!p0 $0x1082;
	s9 =	sld [smem:$0x3FB5]  }
0x2f: {  	lr =	sadd.s32 s0, s3;
	s0 =	sld [smem:$0x3FAC]  }
0x30: {  	s3 =	sld [smem:$0x3FAF]  }
0x31: {  	[smem:$0x3FB8] =	sst s10  }
0x32: {  	s10 =	sld [smem:$0x3FB6];
	_ =	sdelay $0x3  }
0x33: {  	p0 =	seq.s32 s10, $0x1;
	s10 =	sld [smem:$0x3FB8];
	_ =	sdelay $0x3  }
0x34: {  	[smem:$0x3FB8] =	sst s10  }
0x35: {  	s10 =	sld [smem:$0x3FB7];
	_ =	sdelay $0x3  }
0x36: {  	p1 =	seq.s32 s10, $0x1;
	s10 =	sld [smem:$0x3FB8];
	_ =	sdelay $0x3  }
0x37: {  	[smem:$0x3FB8] =	sst s10  }
0x38: {  	s10 =	sld [smem:$0x3FB9]  }
0x39: {  	_ = 	snop;
	(pc) =	sbr.ind lr, $3  }
0x3a: {  	_ = 	snop  }
0x3b: {  	_ = 	snop  }
0x3c: {  	p2 =	seq.s32 s10, $0x1;
	s10 =	sld [smem:$0x3FB8]  }
0x3d: {  	_ =	shalt  }
0x3e: {  	_ =	shalt  }
0x3f: {  	_ =	shalt  }
0x40: {  	_ =	shalt  }
0x41: {  	_ =	shalt  }
0x42: {  	_ =	shalt  }
0x43: {  	_ =	shalt  }
0x44: {  	_ =	shalt  }
0x45: {  	_ =	shalt  }
0x46: {  	_ =	shalt  }
0x47: {  	_ =	shalt  }
0x48: {  	_ =	shalt  }
0x49: {  	_ =	shalt  }
0x4a: {  	_ =	shalt  }
0x4b: {  	_ =	shalt  }
0x4c: {  	_ =	shalt  }
0x4d: {  	_ =	shalt  }
0x4e: {  	_ =	shalt  }
0x4f: {  	_ =	shalt  }
0x50: {  	_ =	shalt  }
0x51: {  	_ =	shalt  }
0x52: {  	_ =	shalt  }
0x53: {  	_ =	shalt  }
0x54: {  	_ =	shalt  }
0x55: {  	_ =	shalt  }
0x56: {  	_ =	shalt  }
0x57: {  	_ =	shalt  }
0x58: {  	_ =	shalt  }
0x59: {  	_ =	shalt  }
0x5a: {  	_ =	shalt  }
0x5b: {  	_ =	shalt  }
0x5c: {  	_ =	shalt  }
0x5d: {  	_ =	shalt  }
0x5e: {  	_ =	shalt  }
0x5f: {  	_ =	shalt  }
0x60: {  	_ =	shalt  }
0x61: {  	_ =	shalt  }
0x62: {  	_ =	shalt  }
0x63: {  	_ =	shalt  }
0x64: {  	_ =	shalt  }
0x65: {  	_ =	shalt  }
0x66: {  	_ =	shalt  }
0x67: {  	_ =	shalt  }
0x68: {  	_ =	shalt  }
0x69: {  	_ =	shalt  }
0x6a: {  	_ =	shalt  }
0x6b: {  	_ =	shalt  }
0x6c: {  	_ =	shalt  }
0x6d: {  	_ =	shalt  }
0x6e: {  	_ =	shalt  }
0x6f: {  	_ =	shalt  }
0x70: {  	_ =	shalt  }
0x71: {  	_ =	shalt  }
0x72: {  	_ =	shalt  }
0x73: {  	_ =	shalt  }
0x74: {  	_ =	shalt  }
0x75: {  	_ =	shalt  }
0x76: {  	_ =	shalt  }
0x77: {  	_ =	shalt  }
0x78: {  	_ =	shalt  }
0x79: {  	_ =	shalt  }
0x7a: {  	_ =	shalt  }
0x7b: {  	_ =	shalt  }
0x7c: {  	_ =	shalt  }
0x7d: {  	_ =	shalt  }
0x7e: {  	_ =	shalt  }
0x7f: {  	_ =	shalt  }
0x80: {  	_ =	shalt  }
0x81: {  	_ =	shalt  }
0x82: {  	_ =	shalt  }
0x83: {  	_ =	shalt  }
0x84: {  	_ =	shalt  }
0x85: {  	_ =	shalt  }
0x86: {  	_ =	shalt  }
0x87: {  	_ =	shalt  }
.Lfunc_end0:
.L_simem_size_0:
called_computation_lowered:
.L_overlay_start_0:
0x88: {  	s2 =	sld [smem:$0x3FD9]  }
0x89: {  	s3 =	sld [smem:$0x3FFE];
	_ =	sdelay $0x1  }
0x8a: {  	s1 =	srdreg.scid  }
0x8b: {  	s0 =	sand.u32 $0x1, s1  }
0x8c: {  	s15 =	sshll.u32 s0, $0xA;
	s2 =	sadd.s32 s3, s2  }
0x8d: {  	s2 =	sadd.s32 s2, s15  }
0x8e: {  	[smem:$0x3FC4] =	sst s2  }
0x8f: {  	_ = 	snop  }
0x90: {  	s2 =	sld [smem:$0x3FC9]  }
0x91: {  	s16 =	sld [smem:$0x3FD0]  }
0x92: {  	s4 =	sld [smem:$0x3FC8]  }
0x93: {  	s5 =	sld [smem:$0x3FC7]  }
0x94: {  	s7 =	simm.s32 $0xA;
	s8 =	simm.s32 $0x10;
	s6 =	sld [smem:$0x3FC6]  }
0x95: {  	[smem:s8], [sflag:s7] =	dma.local [hbm:s16], $0x1  }
0x96: {  	_ =	swait.eq [sflag:s7], $0x1  }
0x97: {  	s17 =	sld [smem:$0x10];
	[sflag:s7] =	ssyncset.done $0x0  }
0x98: {  	s18 =	sld [smem:$0x11];
	[sflag:s7] =	ssyncadd.s32 $0xFFFFFFFF  }
0x99: {  	s19 =	sld [smem:$0x12];
	(tm) =	ssettm $0x1  }
0x9a: {  	s9 =	sld [smem:$0x3FFB];
	_ =	sdelay $0x3  }
0x9b: {  	_ =	strace s9  }
0x9c: {  	s9 =	sld [smem:$0x3FFC];
	_ =	sdelay $0x3  }
0x9d: {  	_ =	strace s9  }
0x9e: {  	s9 =	sld [smem:$0x3FFD];
	_ =	sdelay $0x3  }
0x9f: {  	_ =	strace s9  }
0xa0: {  	_ =	strace $0x8FFFFFFF  }
0xa1: {  	s20 =	sld [smem:$0x3FDB];
	_ =	sdelay $0x1  }
0xa2: {  	s10 =	simm.s32 $_scs_section_size  }
0xa3: {  	s11 =	simm.s32 $_size__tile_overlayer_lowered;
	s12 =	simm.s32 $_tile_overlayer_lowered  }
0xa4: {  	s23 =	simm.s32 $0x1BFF;
	s22 =	sshll.u32 s12, $0x1;
	s9 =	sadd.s32 s10, s20  }
0xa5: {  	s13 =	simm.s32 $0x0;
	s21 =	sshll.u32 s11, $0x1;
	s11 =	sadd.s32 s22, s9  }
0xa6: {  	[timem:s13], [sflag:s23] =	dma.local [hbm:s11], s21  }
0xa7: {  	_ =	swait.ge [sflag:s23], s21  }
0xa8: {  	s10 =	ssub.s32 $0x0, s21;
	[sflag:s23] =	ssyncset.done $0x0  }
0xa9: {  	[sflag:s23] =	ssyncadd.s32 s10;
	_ =	sdelay $0x1  }
0xaa: {  	s24 =	simm.s32 $0x1B8B  }
0xab: {  	_ =	swait.ge [sflag:s24], $0x1  }
0xac: {  	[sflag:s24] =	ssyncset.done $0x0  }
0xad: {  	s25 =	simm.s32 $0x1B8E;
	[sflag:s24] =	ssyncadd.s32 $0xFFFFFFFF  }
0xae: {  	s26 =	simm.s32 $execute0_lowered;
	[smem:$0x3FD2] =	sst s25  }
0xaf: {  	s10 =	sshll.u32 s26, $0x1;
	_ =	strace $0x80000046;
	[dreg:$0x1] =	wrdreg $0xFFFFFFFF  }
0xb0: {  	s28 =	simm.s32 $_size_execute0_lowered;
	s9 =	sadd.s32 s9, s10;
	[dreg:$0x0] =	wrdreg $0x0  }
0xb1: {  	s10 =	sshll.u32 s28, $0x1;
	[dreg:$0x2] =	wrdreg s9  }
0xb2: {  	[dreg:$0x3] =	wrdreg s10  }
0xb3: {  	[dreg:$0x4] =	wrdreg $0xC0  }
0xb4: {  	_ =	task [dreg:s13], $0x5FFFF  }
0xb5: {  	[dreg:$0x1] =	wrdreg $0xFFFFFFFF  }
0xb6: {  	[dreg:$0x0] =	wrdreg $0x60  }
0xb7: {  	[dreg:$0x2] =	wrdreg s2  }
0xb8: {  	[dreg:$0x3] =	wrdreg s4  }
0xb9: {  	[dreg:$0x4] =	wrdreg s5  }
0xba: {  	[dreg:$0x5] =	wrdreg s6  }
0xbb: {  	[dreg:$0x6] =	wrdreg s17  }
0xbc: {  	[dreg:$0x7] =	wrdreg s18  }
0xbd: {  	[dreg:$0x8] =	wrdreg s19  }
0xbe: {  	[dreg:$0x9] =	wrdreg $0x9  }
0xbf: {  	_ =	task.clear_ibuf [dreg:s13], $0xAFFFF;
	_ =	strace $0x90000046  }
0xc0: {  	s29 =	simm.s32 $0x9;
	_ =	strace $0x80000048  }
0xc1: {  	_ =	swait.ge [sflag:s29], $0x1  }
0xc2: {  	[sflag:s29] =	ssyncadd.s32 $0xFFFFFFFF  }
0xc3: {  	_ =	strace $0x90000048  }
0xc4: {  	_ =	sfence  }
0xc5: {  	s30 =	sld [smem:$0x0];
	_ =	sdelay $0x2  }
0xc6: {  	s31 =	sshll.u32 s1, $0xD;
	s1 =	sshrl.u32 s1, $0x2  }
0xc7: {  	s3 =	sand.u32 $0x4000, s31;
	s1 =	sadd.s32 s1, s30  }
0xc8: {  	s0 =	sor.u32 s3, s0;
	s1 =	sshll.u32 s1, $0x11  }
0xc9: {  	s0 =	sor.u32 s1, s0  }
0xca: {  	s0 =	sadd.s32 $0x8F2B, s0  }
0xcb: {  	[sflag:s0] =	ssyncadd.remote.s32 $0x1  }
0xcc: {  	_ =	sfence.sel $0xFFFF  }
0xcd: {  	[dreg:$0x0] =	wrdreg $0xFFFFFFFF;
	(pc) =	sbr.abs _section_cstart, $3  }
0xce: {  	[dreg:$0x1] =	wrdreg $0xFFFFFFFF  }
0xcf: {  	_ =	task.clear_ibuf [dreg:s13], $0x2FFFF;
	_ =	strace $0x9FFFFFFF  }
0xd0: {  	(tm) =	ssettm $0x7FFFFFFF  }
0xd1: {  	_ =	shalt  }
tec
execute0_lowered:
.L_overlay_start_1:
0x0: {  	(tag) =	ssettag $0x1  }
0x1: {  	s0 =	rddreg [dreg:$0x0]  }
0x2: {  	s1 =	rddreg [dreg:$0x1]  }
0x3: {  	s2 =	rddreg [dreg:$0x2]  }
0x4: {  	s4 =	rddreg [dreg:$0x3]  }
0x5: {  	s5 =	rddreg [dreg:$0x4]  }
0x6: {  	s6 =	rddreg [dreg:$0x5];
	s3 =	srdreg.scid  }
0x7: {  	s7 =	rddreg [dreg:$0x6];
	s13 =	stileid.u32  }
0x8: {  	s28 =	simm.s32 $0xE;
	s29 =	simm.s32 $0x5D00;
	s30 =	simm.s32 $0xF  }
0x9: {  	s31 =	simm.s32 $0x9D00;
	s8 =	sand.u32 $0x1, s3;
	s9 =	sshll.u32 s13, $0x8  }
0xa: {  	s3 =	simm.s32 $0x0;
	s21 =	sshll.u32 s13, $0xC;
	s10 =	sshll.u32 s8, $0x7  }
0xb: {  	s13 =	simm.s32 $0x6;
	s11 =	ssub.s32 $0x2, s8;
	s9 =	sor.u32 s10, s9  }
0xc: {  	[smem:$0x7FF] =	sst s3;
	s23 =	sshll.u32 s8, $0xB;
	s12 =	sshrl.u32 s9, $0x3  }
0xd: {  	s26 =	sshrl.u32 s11, $0x1;
	_ =	strace $0x80000047;
	s1 =	sadd.s32 s1, s12  }
0xe: {  	s10 =	ssub.s32 s11, s26;
	s11 =	sadd.s32 s2, s12;
	[dreg:$0x8] =	wrdreg s1  }
0xf: {  	s14 =	sshll.u32 s9, $0x4;
	s12 =	sadd.s32 s4, s9;
	[dreg:$0x9] =	wrdreg s11  }
0x10: {  	s8 =	simm.s32 $0x8;
	s15 =	sadd.s32 s5, s14;
	[dreg:$0xa] =	wrdreg s12  }
0x11: {  	s16 =	sadd.s32 s14, s7;
	s26 =	smax.u32 s10, $0x1;
	[dreg:$0xc] =	wrdreg s15  }
0x12: {  	s4 =	simm.s32 $0x2;
	s2 =	sadd.s32 $0x6000, s12;
	[dreg:$0x16] =	wrdreg s26  }
0x13: {  	s5 =	simm.s32 $0x7;
	s1 =	sadd.s32 s6, s14;
	[dreg:$0xb] =	wrdreg s2  }
0x14: {  	s9 =	simm.s32 $0x4;
	s17 =	sadd.s32 $0x2A0000, s16;
	[dreg:$0xd] =	wrdreg s1  }
0x15: {  	s10 =	simm.s32 $0x9;
	s18 =	sadd.s32 $0x2B0000, s16;
	[dreg:$0xe] =	wrdreg s17  }
0x16: {  	s19 =	sadd.s32 $0x2C0000, s16;
	s20 =	sadd.s32 $0x2D0000, s16;
	[dreg:$0xf] =	wrdreg s18  }
0x17: {  	s22 =	sadd.s32 $0x2E0000, s16;
	s24 =	sadd.s32 $0x2F0000, s16;
	[dreg:$0x10] =	wrdreg s19  }
0x18: {  	s25 =	sadd.s32 $0x300000, s16;
	s26 =	simm.s32 $0x1D00;
	[dreg:$0x11] =	wrdreg s20  }
0x19: {  	s11 =	simm.s32 $0x5;
	s12 =	simm.s32 $0xA;
	[dreg:$0x12] =	wrdreg s22  }
0x1a: {  	s6 =	simm.s32 $0xB;
	s14 =	simm.s32 $0xC;
	[dreg:$0x13] =	wrdreg s24  }
0x1b: {  	s15 =	simm.s32 $0x0;
	s1 =	sadd.s32 s21, s7;
	[dreg:$0x14] =	wrdreg s25  }
0x1c: {  	s2 =	sadd.s32 $0x310000, s16;
	s20 =	simm.s32 $0x80;
	s24 =	simm.s32 $0x1900  }
0x1d: {  	s25 =	simm.s32 $0xD;
	s22 =	simm.s32 $0x11D00;
	s21 =	simm.s32 $0x15D00  }
0x1e: {  	s7 =	simm.s32 $0x3;
	s1 =	sadd.s32 s23, s1;
	[dreg:$0x15] =	wrdreg s2  }
0x1f: {  	s2 =	simm.s32 $0xDD00;
	s19 =	sadd.s32 $0x30000, s1;
	s1 =	simm.s32 $0x1  }
.LBB2_1:
0x20: {  	s16 =	rddreg [dreg:$0x8]  }
0x21: {  	[tilespmem:s3], [sflag:$0xD] =	stream.linear.gather [hbm4b:s16+s3], $0x80, $0x38;
	[tilespmem:$0x19D00] =	vst v63  }
0x22: {  	s17 =	rddreg [dreg:$0x9];
	s18 =	simm.s32 $0x8000  }
0x23: {  	[tilespmem:s20], [sflag:$0xE] =	stream.linear.gather [hbm4b:s17+s3], $0x80, $0x38;
	[tilespmem:$0x19D00] =	vst v63  }
0x24: {  	s23 =	simm.s32 $0x100;
	s16 =	rddreg [dreg:$0xa];
	s17 =	simm.s32 $0x400  }
0x25: {  	[tilespmem:s23], [sflag:$0xF] =	stream.strided.gather [hbm4b:s16+s17], $0x1800, s18, s17, $0x38;
	[tilespmem:$0x19D00] =	vst v63  }
0x26: {  	s18 =	rddreg [dreg:$0xb]  }
0x27: {  	[tilespmem:s24], [sflag:$0xF] =	stream.linear.gather [hbm4b:s18+s3], $0x100, $0x38;
	[tilespmem:$0x19D00] =	vst v63  }
0x28: {  	_ =	swait.ge [sflag:s25], $0x80  }
0x29: {  	[sflag:s25] =	ssyncset.done $0x0  }
0x2a: {  	[sflag:s25] =	ssyncadd.s32 $0xFFFFFF80  }
0x2b: {  	[tilespmem:s26], [sflag:$0x1] =	stream.indirect.gather [hbm4b:s0+s20], $0x80, s3, s20, $0xb8;
	[tilespmem:$0x19D00] =	vst v63  }
0x2c: {  	_ =	swait.ge [sflag:s28], $0x80  }
0x2d: {  	[sflag:s28] =	ssyncset.done $0x0  }
0x2e: {  	[sflag:s28] =	ssyncadd.s32 $0xFFFFFF80  }
0x2f: {  	[tilespmem:s29], [sflag:$0x2] =	stream.indirect.gather [hbm4b:s0+s20], $0x80, s20, s20, $0xb8;
	[tilespmem:$0x19D00] =	vst v63  }
0x30: {  	_ =	swait.ge [sflag:s30], $0x1900  }
0x31: {  	[sflag:s30] =	ssyncset.done $0x0  }
0x32: {  	[sflag:s30] =	ssyncadd.s32 $0xFFFFE700  }
0x33: {  	[tilespmem:s31], [sflag:$0x3] =	stream.indirect.gather [hbm4b:s0+s20], $0x80, s23, s20, $0xb8;
	[tilespmem:$0x19D00] =	vst v63  }
0x34: {  	s17 =	simm.s32 $0x180  }
0x35: {  	[tilespmem:s2], [sflag:$0x4] =	stream.indirect.gather [hbm4b:s0+s20], $0x80, s17, s20, $0xb8;
	[tilespmem:$0x19D00] =	vst v63  }
0x36: {  	s18 =	simm.s32 $0x200  }
0x37: {  	[tilespmem:s22], [sflag:$0x5] =	stream.indirect.gather [hbm4b:s0+s20], $0x80, s18, s20, $0xb8;
	[tilespmem:$0x19D00] =	vst v63  }
0x38: {  	_ =	swait.ge [sflag:s1], $0x4000  }
0x39: {  	[sflag:s1] =	ssyncset.done $0x0  }
0x3a: {  	s23 =	rddreg [dreg:$0xc];
	[sflag:s1] =	ssyncadd.s32 $0xFFFFC000  }
0x3b: {  	[hbm4b:s23+s3] =	stream.linear.scatter [tilespmem:s26], [sflag:$0x7], $0x4000, $0x38;
	[tilespmem:$0x19D00] =	vst v63  }
0x3c: {  	s17 =	simm.s32 $0x280  }
0x3d: {  	[tilespmem:s21], [sflag:$0x6] =	stream.indirect.gather [hbm4b:s0+s20], $0x80, s17, s20, $0xb8;
	[tilespmem:$0x19D00] =	vst v63  }
0x3e: {  	_ =	swait.ge [sflag:s4], $0x4000  }
0x3f: {  	[sflag:s4] =	ssyncset.done $0x0  }
0x40: {  	s18 =	rddreg [dreg:$0xd];
	[sflag:s4] =	ssyncadd.s32 $0xFFFFC000  }
0x41: {  	[hbm4b:s18+s3] =	stream.linear.scatter [tilespmem:s29], [sflag:$0x8], $0x4000, $0x38;
	[tilespmem:$0x19D00] =	vst v63  }
0x42: {  	_ =	swait.ge [sflag:s5], $0x4000  }
0x43: {  	[sflag:s5] =	ssyncset.done $0x0  }
0x44: {  	s23 =	simm.s32 $0x300;
	[sflag:s5] =	ssyncadd.s32 $0xFFFFC000  }
0x45: {  	[tilespmem:s26], [sflag:$0x1] =	stream.indirect.gather [hbm4b:s0+s20], $0x80, s23, s20, $0xb8;
	[tilespmem:$0x19D00] =	vst v63  }
0x46: {  	_ =	swait.ge [sflag:s7], $0x4000  }
0x47: {  	[sflag:s7] =	ssyncset.done $0x0  }
0x48: {  	s17 =	sadd.s32 $0xFFFD0000, s19;
	[sflag:s7] =	ssyncadd.s32 $0xFFFFC000  }
0x49: {  	[hbm4b:s17+s3] =	stream.linear.scatter [tilespmem:s31], [sflag:$0x9], $0x4000, $0x38;
	[tilespmem:$0x19D00] =	vst v63  }
0x4a: {  	_ =	swait.ge [sflag:s8], $0x4000  }
0x4b: {  	[sflag:s8] =	ssyncset.done $0x0  }
0x4c: {  	s18 =	simm.s32 $0x380;
	[sflag:s8] =	ssyncadd.s32 $0xFFFFC000  }
0x4d: {  	[tilespmem:s29], [sflag:$0x2] =	stream.indirect.gather [hbm4b:s0+s20], $0x80, s18, s20, $0xb8;
	[tilespmem:$0x19D00] =	vst v63  }
0x4e: {  	_ =	swait.ge [sflag:s9], $0x4000  }
0x4f: {  	[sflag:s9] =	ssyncset.done $0x0  }
0x50: {  	s23 =	sadd.s32 $0xFFFE0000, s19;
	[sflag:s9] =	ssyncadd.s32 $0xFFFFC000  }
0x51: {  	[hbm4b:s23+s3] =	stream.linear.scatter [tilespmem:s2], [sflag:$0xA], $0x4000, $0x38;
	[tilespmem:$0x19D00] =	vst v63  }
0x52: {  	_ =	swait.ge [sflag:s10], $0x4000  }
0x53: {  	[sflag:s10] =	ssyncset.done $0x0  }
0x54: {  	s17 =	simm.s32 $0x400;
	[sflag:s10] =	ssyncadd.s32 $0xFFFFC000  }
0x55: {  	[tilespmem:s31], [sflag:$0x3] =	stream.indirect.gather [hbm4b:s0+s20], $0x80, s17, s20, $0xb8;
	[tilespmem:$0x19D00] =	vst v63  }
0x56: {  	_ =	swait.ge [sflag:s11], $0x4000  }
0x57: {  	[sflag:s11] =	ssyncset.done $0x0  }
0x58: {  	s18 =	sadd.s32 $0xFFFF0000, s19;
	[sflag:s11] =	ssyncadd.s32 $0xFFFFC000  }
0x59: {  	[hbm4b:s18+s3] =	stream.linear.scatter [tilespmem:s22], [sflag:$0xB], $0x4000, $0x38;
	[tilespmem:$0x19D00] =	vst v63  }
0x5a: {  	_ =	swait.ge [sflag:s12], $0x4000  }
0x5b: {  	[sflag:s12] =	ssyncset.done $0x0  }
0x5c: {  	s23 =	simm.s32 $0x480;
	[sflag:s12] =	ssyncadd.s32 $0xFFFFC000  }
0x5d: {  	[tilespmem:s2], [sflag:$0x4] =	stream.indirect.gather [hbm4b:s0+s20], $0x80, s23, s20, $0xb8;
	[tilespmem:$0x19D00] =	vst v63  }
0x5e: {  	_ =	swait.ge [sflag:s13], $0x4000  }
0x5f: {  	[sflag:s13] =	ssyncset.done $0x0  }
0x60: {  	[sflag:s13] =	ssyncadd.s32 $0xFFFFC000  }
0x61: {  	[hbm4b:s19+s3] =	stream.linear.scatter [tilespmem:s21], [sflag:$0xC], $0x4000, $0x38;
	[tilespmem:$0x19D00] =	vst v63  }
0x62: {  	_ =	swait.ge [sflag:s6], $0x4000  }
0x63: {  	[sflag:s6] =	ssyncset.done $0x0  }
0x64: {  	s17 =	simm.s32 $0x500;
	[sflag:s6] =	ssyncadd.s32 $0xFFFFC000  }
0x65: {  	[tilespmem:s22], [sflag:$0x5] =	stream.indirect.gather [hbm4b:s0+s20], $0x80, s17, s20, $0xb8;
	[tilespmem:$0x19D00] =	vst v63  }
0x66: {  	_ =	swait.ge [sflag:s1], $0x4000  }
0x67: {  	[sflag:s1] =	ssyncset.done $0x0  }
0x68: {  	s18 =	sadd.s32 $0x10000, s19;
	[sflag:s1] =	ssyncadd.s32 $0xFFFFC000  }
0x69: {  	[hbm4b:s18+s3] =	stream.linear.scatter [tilespmem:s26], [sflag:$0x7], $0x4000, $0x38;
	[tilespmem:$0x19D00] =	vst v63  }
0x6a: {  	_ =	swait.ge [sflag:s14], $0x4000  }
0x6b: {  	[sflag:s14] =	ssyncset.done $0x0  }
0x6c: {  	s23 =	simm.s32 $0x580;
	[sflag:s14] =	ssyncadd.s32 $0xFFFFC000  }
0x6d: {  	[tilespmem:s21], [sflag:$0x6] =	stream.indirect.gather [hbm4b:s0+s20], $0x80, s23, s20, $0xb8;
	[tilespmem:$0x19D00] =	vst v63  }
0x6e: {  	_ =	swait.ge [sflag:s4], $0x4000  }
0x6f: {  	s16 =	simm.s32 $0xC00;
	[sflag:s4] =	ssyncset.done $0x0  }
0x70: {  	s17 =	sadd.s32 $0x60000, s19;
	s23 =	sadd.s32 $0x20000, s19;
	[sflag:s4] =	ssyncadd.s32 $0xFFFFC000  }
.LBB2_2:
0x71: {  	[hbm4b:s23+s3] =	stream.linear.scatter [tilespmem:s29], [sflag:$0x8], $0x4000, $0x38;
	[tilespmem:$0x19D00] =	vst v63  }
0x72: {  	s23 =	smov.u32 s16  }
0x73: {  	p0 =	sne.s32 s16, $0x4800;
	s16 =	sadd.s32 $0xC00, s16;
	_ =	swait.ge [sflag:s5], $0x4000  }
0x74: {  	s23 =	sshra.s32 s23, $0x2;
	[sflag:s5] =	ssyncset.done $0x0  }
0x75: {  	s18 =	sadd.s32 $0x300, s23;
	[sflag:s5] =	ssyncadd.s32 $0xFFFFC000  }
0x76: {  	[tilespmem:s26], [sflag:$0x1] =	stream.indirect.gather [hbm4b:s0+s20], $0x80, s18, s20, $0xb8;
	[tilespmem:$0x19D00] =	vst v63  }
0x77: {  	_ =	swait.ge [sflag:s7], $0x4000  }
0x78: {  	[sflag:s7] =	ssyncset.done $0x0  }
0x79: {  	s18 =	sadd.s32 $0xFFFD0000, s17;
	[sflag:s7] =	ssyncadd.s32 $0xFFFFC000  }
0x7a: {  	[hbm4b:s18+s3] =	stream.linear.scatter [tilespmem:s31], [sflag:$0x9], $0x4000, $0x38;
	[tilespmem:$0x19D00] =	vst v63  }
0x7b: {  	_ =	swait.ge [sflag:s8], $0x4000  }
0x7c: {  	[sflag:s8] =	ssyncset.done $0x0  }
0x7d: {  	s18 =	sadd.s32 $0x380, s23;
	[sflag:s8] =	ssyncadd.s32 $0xFFFFC000  }
0x7e: {  	[tilespmem:s29], [sflag:$0x2] =	stream.indirect.gather [hbm4b:s0+s20], $0x80, s18, s20, $0xb8;
	[tilespmem:$0x19D00] =	vst v63  }
0x7f: {  	_ =	swait.ge [sflag:s9], $0x4000  }
0x80: {  	[sflag:s9] =	ssyncset.done $0x0  }
0x81: {  	s18 =	sadd.s32 $0xFFFE0000, s17;
	[sflag:s9] =	ssyncadd.s32 $0xFFFFC000  }
0x82: {  	[hbm4b:s18+s3] =	stream.linear.scatter [tilespmem:s2], [sflag:$0xA], $0x4000, $0x38;
	[tilespmem:$0x19D00] =	vst v63  }
0x83: {  	_ =	swait.ge [sflag:s10], $0x4000  }
0x84: {  	[sflag:s10] =	ssyncset.done $0x0  }
0x85: {  	s18 =	sadd.s32 $0x400, s23;
	[sflag:s10] =	ssyncadd.s32 $0xFFFFC000  }
0x86: {  	[tilespmem:s31], [sflag:$0x3] =	stream.indirect.gather [hbm4b:s0+s20], $0x80, s18, s20, $0xb8;
	[tilespmem:$0x19D00] =	vst v63  }
0x87: {  	_ =	swait.ge [sflag:s11], $0x4000  }
0x88: {  	[sflag:s11] =	ssyncset.done $0x0  }
0x89: {  	s18 =	sadd.s32 $0xFFFF0000, s17;
	[sflag:s11] =	ssyncadd.s32 $0xFFFFC000  }
0x8a: {  	[hbm4b:s18+s3] =	stream.linear.scatter [tilespmem:s22], [sflag:$0xB], $0x4000, $0x38;
	[tilespmem:$0x19D00] =	vst v63  }
0x8b: {  	_ =	swait.ge [sflag:s12], $0x4000  }
0x8c: {  	[sflag:s12] =	ssyncset.done $0x0  }
0x8d: {  	s18 =	sadd.s32 $0x480, s23;
	[sflag:s12] =	ssyncadd.s32 $0xFFFFC000  }
0x8e: {  	[tilespmem:s2], [sflag:$0x4] =	stream.indirect.gather [hbm4b:s0+s20], $0x80, s18, s20, $0xb8;
	[tilespmem:$0x19D00] =	vst v63  }
0x8f: {  	_ =	swait.ge [sflag:s13], $0x4000  }
0x90: {  	[sflag:s13] =	ssyncset.done $0x0  }
0x91: {  	[sflag:s13] =	ssyncadd.s32 $0xFFFFC000  }
0x92: {  	[hbm4b:s17+s3] =	stream.linear.scatter [tilespmem:s21], [sflag:$0xC], $0x4000, $0x38;
	[tilespmem:$0x19D00] =	vst v63  }
0x93: {  	_ =	swait.ge [sflag:s6], $0x4000  }
0x94: {  	[sflag:s6] =	ssyncset.done $0x0  }
0x95: {  	s18 =	sadd.s32 $0x500, s23;
	[sflag:s6] =	ssyncadd.s32 $0xFFFFC000  }
0x96: {  	[tilespmem:s22], [sflag:$0x5] =	stream.indirect.gather [hbm4b:s0+s20], $0x80, s18, s20, $0xb8;
	[tilespmem:$0x19D00] =	vst v63  }
0x97: {  	_ =	swait.ge [sflag:s1], $0x4000  }
0x98: {  	[sflag:s1] =	ssyncset.done $0x0  }
0x99: {  	s18 =	sadd.s32 $0x10000, s17;
	[sflag:s1] =	ssyncadd.s32 $0xFFFFC000  }
0x9a: {  	[hbm4b:s18+s3] =	stream.linear.scatter [tilespmem:s26], [sflag:$0x7], $0x4000, $0x38;
	[tilespmem:$0x19D00] =	vst v63  }
0x9b: {  	_ =	swait.ge [sflag:s14], $0x4000  }
0x9c: {  	[sflag:s14] =	ssyncset.done $0x0  }
.Ltmp0:
0x9d: {  	s18 =	sadd.s32 $0x580, s23;
	[sflag:s14] =	ssyncadd.s32 $0xFFFFC000;
	(pc) =	sbr.rel @p0 .LBB2_2-.Ltmp0, $4  }
0x9e: {  	[tilespmem:s21], [sflag:$0x6] =	stream.indirect.gather [hbm4b:s0+s20], $0x80, s18, s20, $0xb8;
	[tilespmem:$0x19D00] =	vst v63  }
0x9f: {  	_ =	swait.ge [sflag:s4], $0x4000  }
0xa0: {  	[sflag:s4] =	ssyncset.done $0x0  }
0xa1: {  	s23 =	sadd.s32 $0x20000, s17;
	s17 =	sadd.s32 $0x60000, s17;
	[sflag:s4] =	ssyncadd.s32 $0xFFFFC000  }
0xa2: {  	[hbm4b:s23+s3] =	stream.linear.scatter [tilespmem:s29], [sflag:$0x8], $0x4000, $0x38;
	[tilespmem:$0x19D00] =	vst v63  }
0xa3: {  	_ =	swait.ge [sflag:s5], $0x4000  }
0xa4: {  	[sflag:s5] =	ssyncset.done $0x0  }
0xa5: {  	s16 =	simm.s32 $0x1800;
	[sflag:s5] =	ssyncadd.s32 $0xFFFFC000  }
0xa6: {  	[tilespmem:s26], [sflag:$0x1] =	stream.indirect.gather [hbm4b:s0+s20], $0x80, s16, s20, $0xb8;
	[tilespmem:$0x19D00] =	vst v63  }
0xa7: {  	_ =	swait.ge [sflag:s7], $0x4000  }
0xa8: {  	[sflag:s7] =	ssyncset.done $0x0  }
0xa9: {  	s18 =	rddreg [dreg:$0xe];
	[sflag:s7] =	ssyncadd.s32 $0xFFFFC000  }
0xaa: {  	[hbm4b:s18+s3] =	stream.linear.scatter [tilespmem:s31], [sflag:$0x9], $0x4000, $0x38;
	[tilespmem:$0x19D00] =	vst v63  }
0xab: {  	_ =	swait.ge [sflag:s8], $0x4000  }
0xac: {  	[sflag:s8] =	ssyncset.done $0x0  }
0xad: {  	s23 =	simm.s32 $0x1880;
	[sflag:s8] =	ssyncadd.s32 $0xFFFFC000  }
0xae: {  	[tilespmem:s29], [sflag:$0x2] =	stream.indirect.gather [hbm4b:s0+s20], $0x80, s23, s20, $0xb8;
	[tilespmem:$0x19D00] =	vst v63  }
0xaf: {  	_ =	swait.ge [sflag:s9], $0x4000  }
0xb0: {  	[sflag:s9] =	ssyncset.done $0x0  }
0xb1: {  	s17 =	rddreg [dreg:$0xf];
	[sflag:s9] =	ssyncadd.s32 $0xFFFFC000  }
0xb2: {  	[hbm4b:s17+s3] =	stream.linear.scatter [tilespmem:s2], [sflag:$0xA], $0x4000, $0x38;
	[tilespmem:$0x19D00] =	vst v63  }
0xb3: {  	_ =	swait.ge [sflag:s10], $0x4000  }
0xb4: {  	[sflag:s10] =	ssyncset.done $0x0  }
0xb5: {  	[sflag:s10] =	ssyncadd.s32 $0xFFFFC000  }
0xb6: {  	[tilespmem:s31], [sflag:$0x3] =	stream.indirect.gather [hbm4b:s0+s20], $0x80, s24, s20, $0xb8;
	[tilespmem:$0x19D00] =	vst v63  }
0xb7: {  	_ =	swait.ge [sflag:s11], $0x4000  }
0xb8: {  	[sflag:s11] =	ssyncset.done $0x0  }
0xb9: {  	s18 =	rddreg [dreg:$0x10];
	[sflag:s11] =	ssyncadd.s32 $0xFFFFC000  }
0xba: {  	[hbm4b:s18+s3] =	stream.linear.scatter [tilespmem:s22], [sflag:$0xB], $0x4000, $0x38;
	[tilespmem:$0x19D00] =	vst v63  }
0xbb: {  	_ =	swait.ge [sflag:s12], $0x4000  }
0xbc: {  	[sflag:s12] =	ssyncset.done $0x0  }
0xbd: {  	s23 =	simm.s32 $0x1980;
	[sflag:s12] =	ssyncadd.s32 $0xFFFFC000  }
0xbe: {  	[tilespmem:s2], [sflag:$0x4] =	stream.indirect.gather [hbm4b:s0+s20], $0x80, s23, s20, $0xb8;
	[tilespmem:$0x19D00] =	vst v63  }
0xbf: {  	_ =	swait.ge [sflag:s13], $0x4000  }
0xc0: {  	[sflag:s13] =	ssyncset.done $0x0  }
0xc1: {  	s17 =	rddreg [dreg:$0x11];
	[sflag:s13] =	ssyncadd.s32 $0xFFFFC000  }
0xc2: {  	[hbm4b:s17+s3] =	stream.linear.scatter [tilespmem:s21], [sflag:$0xC], $0x4000, $0x38;
	[tilespmem:$0x19D00] =	vst v63  }
0xc3: {  	_ =	swait.ge [sflag:s1], $0x4000  }
0xc4: {  	[sflag:s1] =	ssyncset.done $0x0  }
0xc5: {  	s18 =	rddreg [dreg:$0x12];
	[sflag:s1] =	ssyncadd.s32 $0xFFFFC000  }
0xc6: {  	[hbm4b:s18+s3] =	stream.linear.scatter [tilespmem:s26], [sflag:$0x7], $0x4000, $0x38;
	[tilespmem:$0x19D00] =	vst v63  }
0xc7: {  	_ =	swait.ge [sflag:s4], $0x4000  }
0xc8: {  	[sflag:s4] =	ssyncset.done $0x0  }
0xc9: {  	s23 =	rddreg [dreg:$0x13];
	[sflag:s4] =	ssyncadd.s32 $0xFFFFC000  }
0xca: {  	[hbm4b:s23+s3] =	stream.linear.scatter [tilespmem:s29], [sflag:$0x8], $0x4000, $0x38;
	[tilespmem:$0x19D00] =	vst v63  }
0xcb: {  	_ =	swait.ge [sflag:s7], $0x4000  }
0xcc: {  	[sflag:s7] =	ssyncset.done $0x0  }
0xcd: {  	s17 =	rddreg [dreg:$0x14];
	[sflag:s7] =	ssyncadd.s32 $0xFFFFC000  }
0xce: {  	[hbm4b:s17+s3] =	stream.linear.scatter [tilespmem:s31], [sflag:$0x9], $0x4000, $0x38;
	[tilespmem:$0x19D00] =	vst v63  }
0xcf: {  	_ =	swait.ge [sflag:s9], $0x4000  }
0xd0: {  	[sflag:s9] =	ssyncset.done $0x0  }
0xd1: {  	s18 =	rddreg [dreg:$0x15];
	[sflag:s9] =	ssyncadd.s32 $0xFFFFC000  }
0xd2: {  	[hbm4b:s18+s3] =	stream.linear.scatter [tilespmem:s2], [sflag:$0xA], $0x4000, $0x38;
	[tilespmem:$0x19D00] =	vst v63  }
0xd3: {  	_ =	swait.ge [sflag:s6], $0x4000  }
0xd4: {  	[sflag:s6] =	ssyncset.done $0x0  }
0xd5: {  	[sflag:s6] =	ssyncadd.s32 $0xFFFFC000  }
0xd6: {  	_ =	swait.ge [sflag:s14], $0x4000  }
0xd7: {  	[sflag:s14] =	ssyncset.done $0x0  }
0xd8: {  	[sflag:s14] =	ssyncadd.s32 $0xFFFFC000  }
0xd9: {  	_ =	swait.ge [sflag:s5], $0x4000  }
0xda: {  	[sflag:s5] =	ssyncset.done $0x0  }
0xdb: {  	[sflag:s5] =	ssyncadd.s32 $0xFFFFC000  }
0xdc: {  	_ =	swait.ge [sflag:s8], $0x4000  }
0xdd: {  	[sflag:s8] =	ssyncset.done $0x0  }
0xde: {  	[sflag:s8] =	ssyncadd.s32 $0xFFFFC000  }
0xdf: {  	_ =	swait.ge [sflag:s10], $0x4000  }
0xe0: {  	[sflag:s10] =	ssyncset.done $0x0  }
0xe1: {  	[sflag:s10] =	ssyncadd.s32 $0xFFFFC000  }
0xe2: {  	_ =	swait.ge [sflag:s12], $0x4000  }
0xe3: {  	s15 =	sadd.s32 $0x1, s15;
	s23 =	rddreg [dreg:$0x16]  }
0xe4: {  	p0 =	sne.s32 s15, s23  }
.Ltmp1:
0xe5: {  	_ = 	snop;
	(pc) =	sbr.rel @p0 .LBB2_1-.Ltmp1, $3  }
0xe6: {  	_ =	sdelay $0x1  }
0xe7: {  	[sflag:s12] =	ssyncset.done $0x0  }
0xe8: {  	[sflag:s12] =	ssyncadd.s32 $0xFFFFC000  }
0xe9: {  	_ =	sfence.sel $0x180000  }
0xea: {  	[bflag:$0x0] =	sbarrier.arrive $0xFFFF  }
0xeb: {  	_ =	strace $0x90000047  }
0xec: {  	s0 =	stileid.u32;
	[bflag:$0x2] =	sbarrier.arrive $0xFFFF  }
0xed: {  	p0 =	sne.s32 s0, $0x0;
	s0 =	rddreg [dreg:$0x7]  }
0xee: {  	s0 =	sadd.s32 @!p0 $0x100000, s0  }
0xef: {  	[sflag:s0] =	ssyncadd.tile.s32 @!p0 $0x1;
	_ =	shalt  }
.Lfunc_end2:
_tile_overlayer_lowered:
.L_overlay_start_2:
0xf0: {  	(tag) =	ssettag $0x2  }
0xf1: {  	s0 =	rddreg [dreg:$0x0];
	s2 =	stileid.u32  }
0xf2: {  	s1 =	rddreg [dreg:$0x1];
	p0 =	sne.s32 s2, $0x0  }
0xf3: {  	s3 =	rddreg [dreg:$0x2];
	[bflag:$0x3] =	sbarrier.arrive $0xFFFF;
	s2 =	simm.s32 @!p0 $0x1C10  }
0xf4: {  	[timem:s3], [sflag:s2] =	dma.local @!p0 [hbm:s0], s1  }
0xf5: {  	s0 =	simm.s32 @!p0 $0x10  }
0xf6: {  	_ =	swait.ge @!p0 [sflag:s0], s1  }
0xf7: {  	s1 =	ssub.s32 @!p0 $0x0, s1;
	[sflag:s0] =	ssyncset.done @!p0 $0x0  }
0xf8: {  	[sflag:s0] =	ssyncadd.s32 @!p0 s1  }
0xf9: {  	[bflag:$0x3] =	sbarrier.arrive $0xFFFF  }
0xfa: {  	_ =	shalt  }

</sc_bundles>
